<compile_context>
chip_gen: v7x
topology: tpu7x:2x2x1
jax: 0.10.2.dev20260603
libtpu: 0.0.44.dev20260713+nightly
codegen_flags: <defaults>
</compile_context>

<pallas_src>
import functools

import jax
import jax.numpy as jnp
from jax import lax
from jax.experimental import pallas as pl
from jax.experimental.pallas import tpu as pltpu
from jax.experimental.pallas import tpu_sc as plsc

N_SRC = 10000
N_SEG = 10000
E = 320000
D = 128

NC = 2
NS = 16
NW = NC * NS
EPW = E // NW
W = 80
NWIN = EPW // W
NBUF = 2
N_ACC = 10112
RPT = N_ACC // NS

_MESH = plsc.VectorSubcoreMesh(core_axis_name="c", subcore_axis_name="s")


def _fill(ref, nrows, ncols, value):
    @pl.loop(0, nrows)
    def _(i):
        @pl.loop(0, ncols, step=16)
        def _(k):
            ref.at[pl.ds(i, 1), pl.ds(k, 16)][...] = jnp.full(
                (1, 16), value, jnp.float32)


def _zero_slice(src, dst, r0, w):
    nfull, rem = RPT // w, RPT % w

    @pl.loop(0, nfull)
    def _(k):
        pltpu.sync_copy(src, dst.at[pl.ds(r0 + k * w, w)])
    if rem:
        pltpu.sync_copy(src.at[pl.ds(0, rem)],
                        dst.at[pl.ds(r0 + nfull * w, rem)])


def _make_agg_kernel():
    @functools.partial(
        pl.kernel,
        mesh=_MESH,
        out_type=(jax.ShapeDtypeStruct((NC, N_ACC, D), jnp.float32),
                  jax.ShapeDtypeStruct((NC, N_ACC, D), jnp.float32)),
        scratch_types=[
            pltpu.VMEM((EPW,), jnp.int32),
            pltpu.VMEM((NWIN, W), jnp.int32),
        ] + [pltpu.VMEM((W, D), jnp.float32) for _ in range(NBUF)] + [
            pltpu.VMEM_SHARED((N_ACC, D), jnp.float32),
        ] + [pltpu.SemaphoreType.DMA for _ in range(NBUF)],
    )
    def agg_kernel(values_hbm, gidx_hbm, seg_hbm, sums_hbm, cnts_hbm,
                   gidx_v, seg_v, *rest):
        rows = rest[:NBUF]
        acc_sh = rest[NBUF]
        gsems = rest[NBUF + 1:]
        c = lax.axis_index("c")
        s = lax.axis_index("s")
        wid = s * NC + c

        pltpu.sync_copy(gidx_hbm.at[wid], gidx_v)
        pltpu.sync_copy(seg_hbm.at[wid], seg_v)

        _fill(rows[0], W, D, 0.0)
        r0 = s * RPT
        _zero_slice(rows[0], acc_sh, r0, W)
        plsc.subcore_barrier()

        def fire_gather(j, b):
            pltpu.async_copy(
                values_hbm.at[gidx_v.at[pl.ds(j * W, W)]], rows[b], gsems[b])

        def wait_gather(b):
            pltpu.make_async_copy(
                values_hbm.at[gidx_v.at[pl.ds(0, W)]], rows[b],
                gsems[b]).wait()

        def scatter(j, b):
            pltpu.sync_copy(rows[b], acc_sh.at[seg_v.at[j]], add=True)

        fire_gather(0, 0)
        fire_gather(1, 1)

        @pl.loop(0, NWIN - 3, step=2)
        def _(j0):
            wait_gather(0)
            scatter(j0, 0)
            fire_gather(j0 + 2, 0)
            wait_gather(1)
            scatter(j0 + 1, 1)
            fire_gather(j0 + 3, 1)

        wait_gather(0)
        scatter(NWIN - 3, 0)
        fire_gather(NWIN - 1, 0)
        wait_gather(1)
        scatter(NWIN - 2, 1)
        wait_gather(0)
        scatter(NWIN - 1, 0)

        plsc.subcore_barrier()
        pltpu.sync_copy(acc_sh.at[pl.ds(r0, RPT)],
                        sums_hbm.at[c, pl.ds(r0, RPT)])

        _fill(rows[0], W, D, 0.0)
        _fill(rows[1], W, D, 1.0)
        _zero_slice(rows[0], acc_sh, r0, W)
        plsc.subcore_barrier()

        @pl.loop(0, NWIN)
        def _(j):
            pltpu.sync_copy(rows[1], acc_sh.at[seg_v.at[j]], add=True)

        plsc.subcore_barrier()
        pltpu.sync_copy(acc_sh.at[pl.ds(r0, RPT)],
                        cnts_hbm.at[c, pl.ds(r0, RPT)])

    return agg_kernel


_agg_kernel = _make_agg_kernel()

BR = 1000


def _merge_body(s_ref, c_ref, o_ref):
    ssum = s_ref[0] + s_ref[1]
    cnt = c_ref[0, :, 0:1] + c_ref[1, :, 0:1]
    o_ref[...] = ssum / jnp.maximum(cnt, 1.0)


_merge = pl.pallas_call(
    _merge_body,
    grid=(N_SEG // BR,),
    in_specs=[
        pl.BlockSpec((NC, BR, D), lambda i: (0, i, 0)),
        pl.BlockSpec((NC, BR, D), lambda i: (0, i, 0)),
    ],
    out_specs=pl.BlockSpec((BR, D), lambda i: (i, 0)),
    out_shape=jax.ShapeDtypeStruct((N_SEG, D), jnp.float32),
)


@jax.jit
def _impl(values, gather_idx, segment_ids):
    g = gather_idx.reshape(NW, EPW)
    sg = segment_ids.reshape(NW, NWIN, W)
    sums, cnts = _agg_kernel(values, g, sg)
    return _merge(sums, cnts)


def kernel(values, gather_idx, segment_ids):
    return _impl(values, gather_idx, segment_ids)

# --- scband reference (transcript-rebuilt; emitter-appended) ---
"""Pipeline reference for scband-aggregation-layer-2963527434957 (READ-ONLY COPY).

The authoritative reference and input builder live on the scoring server;
editing this copy changes nothing except your own understanding.
"""

import jax, jax.numpy as jnp
import numpy as np

N_SRC = 10000   # neurons in the previous layer (source of gathered values)
N_SEG = 10000   # neurons in this layer (number of output segments)
E = 320000      # total gathered inputs across all neurons (ragged: ~32 per neuron)
D = 128         # feature dim per neuron value


def setup_inputs(seed: int = 0) -> dict:
    key = jax.random.key(seed)
    k1, k2, k3 = jax.random.split(key, 3)
    values = jax.random.normal(k1, (N_SRC, D), dtype=jnp.float32)
    gather_idx = jax.random.randint(k2, (E,), 0, N_SRC, dtype=jnp.int32)
    segment_ids = jnp.sort(jax.random.randint(k3, (E,), 0, N_SEG, dtype=jnp.int32))
    return {"values": values, "gather_idx": gather_idx, "segment_ids": segment_ids}


def reference(values, gather_idx, segment_ids):
    # build_optimal_gather_module: gather each neuron's input values from the
    # previous layer's value tensor -> flat ragged [E, D]
    gathered = jnp.take(values, gather_idx, axis=0)
    # ragged path of AggregationLayer: split by inputs_dims, pad, sum over dim=1;
    # equivalently a segment_sum over the per-neuron segment ids
    sums = jax.ops.segment_sum(gathered, segment_ids, num_segments=N_SEG)
    # inputs_dims_tensor: number of inputs per neuron (counts)
    counts = jax.ops.segment_sum(
        jnp.ones((E,), dtype=jnp.float32), segment_ids, num_segments=N_SEG
    )
    # aggregation == 'mean': sum / inputs_dims (clamp to 1 to guard empty segments)
    y = sums / jnp.maximum(counts, 1.0)[:, None]
    return y

if __name__ == "__main__":
    import jax
    _d = setup_inputs()
    print(jax.jit(kernel)(*tuple(_d.values())))

</pallas_src>

<mosaic_0001>
#map = affine_map<(d0, d1) -> (0, 0)>
#map1 = affine_map<(d0, d1) -> (0, 0, 0)>
module attributes {stable_mosaic.version = 14 : i64} {
  func.func @agg_kernel(%arg0: i32, %arg1: i32, %arg2: memref<10000x128xf32, #tpu.memory_space<hbm>>, %arg3: memref<32x10000xi32, #tpu.memory_space<hbm>>, %arg4: memref<32x125x80xi32, #tpu.memory_space<hbm>>, %arg5: memref<2x10112x128xf32, #tpu.memory_space<hbm>>, %arg6: memref<2x10112x128xf32, #tpu.memory_space<hbm>>, %arg7: memref<10000xi32, #tpu.memory_space<vmem>>, %arg8: memref<125x80xi32, #tpu.memory_space<vmem>>, %arg9: memref<80x128xf32, #tpu.memory_space<vmem>>, %arg10: memref<80x128xf32, #tpu.memory_space<vmem>>, %arg11: memref<10112x128xf32, #tpu.memory_space<vmem_shared>>, %arg12: memref<!tpu.dma_semaphore, #tpu.memory_space<semaphore_mem>>, %arg13: memref<!tpu.dma_semaphore, #tpu.memory_space<semaphore_mem>>) attributes {dimension_semantics = [#tpu.dimension_semantics<core_parallel>, #tpu.dimension_semantics<subcore_parallel>], iteration_bounds = array<i64: 2, 16>, scalar_prefetch = 0 : i64, scratch_operands = 7 : i64, tpu.core_type = #tpu.core_type<sc_vector_subcore>, window_params = [{transform_indices = #map}, {transform_indices = #map}, {transform_indices = #map1}, {transform_indices = #map1}, {transform_indices = #map1}]} {
    %mul3A = arith.constant 2 : i32
    %mul3A_0 = arith.muli %arg1, %mul3A : i32
    %add3A = arith.addi %mul3A_0, %arg0 : i32
    "tpu.region"() ({
      %run_scoped3A_74 = tpu.sem_alloc : memref<!tpu.dma_semaphore, #tpu.memory_space<semaphore_mem>>
      %dma_start3A_75 = arith.constant 0 : i32
      %dma_start3A_76 = tpu.memref_slice %arg3[%add3A, %dma_start3A_75] : memref<32x10000xi32, #tpu.memory_space<hbm>> -> memref<1x10000xi32, #tpu.memory_space<hbm>>
      %dma_start3A_77 = tpu.memref_squeeze %dma_start3A_76 : memref<1x10000xi32, #tpu.memory_space<hbm>> -> memref<10000xi32, #tpu.memory_space<hbm>>
      %dma_start3A_78 = arith.constant 0 : i32
      %dma_start3A_79 = tpu.memref_slice %arg3[%add3A, %dma_start3A_78] : memref<32x10000xi32, #tpu.memory_space<hbm>> -> memref<1x10000xi32, #tpu.memory_space<hbm>>
      %dma_start3A_80 = tpu.memref_squeeze %dma_start3A_79 : memref<1x10000xi32, #tpu.memory_space<hbm>> -> memref<10000xi32, #tpu.memory_space<hbm>>
      tpu.enqueue_dma source(%dma_start3A_80 : memref<10000xi32, #tpu.memory_space<hbm>>) target(%arg7 : memref<10000xi32, #tpu.memory_space<vmem>>) target_semaphore(%run_scoped3A_74 : memref<!tpu.dma_semaphore, #tpu.memory_space<semaphore_mem>>)
      %dma_wait3A_81 = arith.constant 0 : i32
      %dma_wait3A_82 = tpu.memref_slice %arg3[%add3A, %dma_wait3A_81] : memref<32x10000xi32, #tpu.memory_space<hbm>> -> memref<1x10000xi32, #tpu.memory_space<hbm>>
      %dma_wait3A_83 = tpu.memref_squeeze %dma_wait3A_82 : memref<1x10000xi32, #tpu.memory_space<hbm>> -> memref<10000xi32, #tpu.memory_space<hbm>>
      %dma_wait3A_84 = arith.constant 0 : i32
      %dma_wait3A_85 = tpu.memref_slice %arg3[%add3A, %dma_wait3A_84] : memref<32x10000xi32, #tpu.memory_space<hbm>> -> memref<1x10000xi32, #tpu.memory_space<hbm>>
      %dma_wait3A_86 = tpu.memref_squeeze %dma_wait3A_85 : memref<1x10000xi32, #tpu.memory_space<hbm>> -> memref<10000xi32, #tpu.memory_space<hbm>>
      tpu.wait_dma2 semaphore(%run_scoped3A_74 : memref<!tpu.dma_semaphore, #tpu.memory_space<semaphore_mem>>) src(%dma_wait3A_86 : memref<10000xi32, #tpu.memory_space<hbm>>) dst(%arg7 : memref<10000xi32, #tpu.memory_space<vmem>>)
      tpu.yield
    }) : () -> ()
    "tpu.region"() ({
      %run_scoped3A_74 = tpu.sem_alloc : memref<!tpu.dma_semaphore, #tpu.memory_space<semaphore_mem>>
      %dma_start3A_75 = arith.constant 0 : i32
      %dma_start3A_76 = arith.constant 0 : i32
      %dma_start3A_77 = tpu.memref_slice %arg4[%add3A, %dma_start3A_75, %dma_start3A_76] : memref<32x125x80xi32, #tpu.memory_space<hbm>> -> memref<1x125x80xi32, #tpu.memory_space<hbm>>
      %dma_start3A_78 = tpu.memref_squeeze %dma_start3A_77 : memref<1x125x80xi32, #tpu.memory_space<hbm>> -> memref<125x80xi32, #tpu.memory_space<hbm>>
      %dma_start3A_79 = arith.constant 0 : i32
      %dma_start3A_80 = arith.constant 0 : i32
      %dma_start3A_81 = tpu.memref_slice %arg4[%add3A, %dma_start3A_79, %dma_start3A_80] : memref<32x125x80xi32, #tpu.memory_space<hbm>> -> memref<1x125x80xi32, #tpu.memory_space<hbm>>
      %dma_start3A_82 = tpu.memref_squeeze %dma_start3A_81 : memref<1x125x80xi32, #tpu.memory_space<hbm>> -> memref<125x80xi32, #tpu.memory_space<hbm>>
      tpu.enqueue_dma source(%dma_start3A_82 : memref<125x80xi32, #tpu.memory_space<hbm>>) target(%arg8 : memref<125x80xi32, #tpu.memory_space<vmem>>) target_semaphore(%run_scoped3A_74 : memref<!tpu.dma_semaphore, #tpu.memory_space<semaphore_mem>>)
      %dma_wait3A_83 = arith.constant 0 : i32
      %dma_wait3A_84 = arith.constant 0 : i32
      %dma_wait3A_85 = tpu.memref_slice %arg4[%add3A, %dma_wait3A_83, %dma_wait3A_84] : memref<32x125x80xi32, #tpu.memory_space<hbm>> -> memref<1x125x80xi32, #tpu.memory_space<hbm>>
      %dma_wait3A_86 = tpu.memref_squeeze %dma_wait3A_85 : memref<1x125x80xi32, #tpu.memory_space<hbm>> -> memref<125x80xi32, #tpu.memory_space<hbm>>
      %dma_wait3A_87 = arith.constant 0 : i32
      %dma_wait3A_88 = arith.constant 0 : i32
      %dma_wait3A_89 = tpu.memref_slice %arg4[%add3A, %dma_wait3A_87, %dma_wait3A_88] : memref<32x125x80xi32, #tpu.memory_space<hbm>> -> memref<1x125x80xi32, #tpu.memory_space<hbm>>
      %dma_wait3A_90 = tpu.memref_squeeze %dma_wait3A_89 : memref<1x125x80xi32, #tpu.memory_space<hbm>> -> memref<125x80xi32, #tpu.memory_space<hbm>>
      tpu.wait_dma2 semaphore(%run_scoped3A_74 : memref<!tpu.dma_semaphore, #tpu.memory_space<semaphore_mem>>) src(%dma_wait3A_90 : memref<125x80xi32, #tpu.memory_space<hbm>>) dst(%arg8 : memref<125x80xi32, #tpu.memory_space<vmem>>)
      tpu.yield
    }) : () -> ()
    %scan3A = arith.constant 0 : i32
    %scan3A_1 = arith.constant 80 : i32
    %scan3A_2 = arith.addi %scan3A, %scan3A_1 : i32
    %scan3A_3 = arith.constant 1 : i32
    scf.for %scan3A_74 = %scan3A to %scan3A_2 step %scan3A_3  : i32 {
      %mul3A_75 = arith.constant 1 : i32
      %mul3A_76 = arith.muli %scan3A_74, %mul3A_75 : i32
      %add3A_77 = arith.constant 0 : i32
      %add3A_78 = arith.addi %add3A_77, %mul3A_76 : i32
      %scan3A_79 = arith.constant 0 : i32
      %scan3A_80 = arith.constant 8 : i32
      %scan3A_81 = arith.addi %scan3A_79, %scan3A_80 : i32
      %scan3A_82 = arith.constant 1 : i32
      scf.for %scan3A_84 = %scan3A_79 to %scan3A_81 step %scan3A_82  : i32 {
        %mul3A_85 = arith.constant 16 : i32
        %mul3A_86 = arith.muli %scan3A_84, %mul3A_85 : i32
        %add3A_87 = arith.constant 0 : i32
        %add3A_88 = arith.addi %add3A_87, %mul3A_86 : i32
        %broadcast_in_dim3A = arith.constant 0.000000e+00 : f32
        %broadcast_in_dim3A_89 = vector.broadcast %broadcast_in_dim3A : f32 to vector<1x16xf32>
        %swap3A = arith.index_cast %add3A_78 : i32 to index
        %swap3A_90 = arith.index_cast %add3A_88 : i32 to index
        %swap3A_91 = tpu.vector_load %arg9[%swap3A, %swap3A_90] {strides = array<i32>} : memref<80x128xf32, #tpu.memory_space<vmem>>, vector<1x16xf32>,
        %swap3A_92 = vector.shape_cast %swap3A_91 : vector<1x16xf32> to vector<1x16xf32>
        %swap3A_93 = vector.shape_cast %broadcast_in_dim3A_89 : vector<1x16xf32> to vector<1x16xf32>
        tpu.vector_store %arg9[%swap3A, %swap3A_90], %swap3A_93 {strides = array<i32>} : memref<80x128xf32, #tpu.memory_space<vmem>>, vector<1x16xf32>,
      }
      %scan3A_83 = arith.constant 8 : i32
    }
    %scan3A_4 = arith.constant 80 : i32
    %mul3A_5 = arith.constant 632 : i32
    %mul3A_6 = arith.muli %arg1, %mul3A_5 : i32
    %scan3A_7 = arith.constant 0 : i32
    %scan3A_8 = arith.constant 7 : i32
    %scan3A_9 = arith.addi %scan3A_7, %scan3A_8 : i32
    %scan3A_10 = arith.constant 1 : i32
    scf.for %scan3A_74 = %scan3A_7 to %scan3A_9 step %scan3A_10  : i32 {
      %mul3A_75 = arith.constant 1 : i32
      %mul3A_76 = arith.muli %scan3A_74, %mul3A_75 : i32
      %add3A_77 = arith.constant 0 : i32
      %add3A_78 = arith.addi %add3A_77, %mul3A_76 : i32
      %mul3A_79 = arith.constant 80 : i32
      %mul3A_80 = arith.muli %add3A_78, %mul3A_79 : i32
      %add3A_81 = arith.addi %mul3A_6, %mul3A_80 : i32
      "tpu.region"() ({
        %run_scoped3A_82 = tpu.sem_alloc : memref<!tpu.dma_semaphore, #tpu.memory_space<semaphore_mem>>
        %dma_start3A_83 = arith.constant 0 : i32
        %dma_start3A_84 = tpu.memref_slice %arg11[%add3A_81, %dma_start3A_83] : memref<10112x128xf32, #tpu.memory_space<vmem_shared>> -> memref<80x128xf32, #tpu.memory_space<vmem_shared>>
        %dma_start3A_85 = arith.constant 0 : i32
        %dma_start3A_86 = tpu.memref_slice %arg11[%add3A_81, %dma_start3A_85] : memref<10112x128xf32, #tpu.memory_space<vmem_shared>> -> memref<80x128xf32, #tpu.memory_space<vmem_shared>>
        tpu.enqueue_dma source(%arg9 : memref<80x128xf32, #tpu.memory_space<vmem>>) target(%dma_start3A_86 : memref<80x128xf32, #tpu.memory_space<vmem_shared>>) target_semaphore(%run_scoped3A_82 : memref<!tpu.dma_semaphore, #tpu.memory_space<semaphore_mem>>)
        %dma_wait3A_87 = arith.constant 0 : i32
        %dma_wait3A_88 = tpu.memref_slice %arg11[%add3A_81, %dma_wait3A_87] : memref<10112x128xf32, #tpu.memory_space<vmem_shared>> -> memref<80x128xf32, #tpu.memory_space<vmem_shared>>
        %dma_wait3A_89 = arith.constant 0 : i32
        %dma_wait3A_90 = tpu.memref_slice %arg11[%add3A_81, %dma_wait3A_89] : memref<10112x128xf32, #tpu.memory_space<vmem_shared>> -> memref<80x128xf32, #tpu.memory_space<vmem_shared>>
        tpu.wait_dma2 semaphore(%run_scoped3A_82 : memref<!tpu.dma_semaphore, #tpu.memory_space<semaphore_mem>>) src(%arg9 : memref<80x128xf32, #tpu.memory_space<vmem>>) dst(%dma_wait3A_90 : memref<80x128xf32, #tpu.memory_space<vmem_shared>>)
        tpu.yield
      }) : () -> ()
    }
    %scan3A_11 = arith.constant 7 : i32
    %add3A_12 = arith.constant 560 : i32
    %add3A_13 = arith.addi %mul3A_6, %add3A_12 : i32
    "tpu.region"() ({
      %run_scoped3A_74 = tpu.sem_alloc : memref<!tpu.dma_semaphore, #tpu.memory_space<semaphore_mem>>
      %dma_start3A_75 = arith.constant 0 : i32
      %dma_start3A_76 = arith.constant 0 : i32
      %dma_start3A_77 = tpu.memref_slice %arg9[%dma_start3A_75, %dma_start3A_76] : memref<80x128xf32, #tpu.memory_space<vmem>> -> memref<72x128xf32, #tpu.memory_space<vmem>>
      %dma_start3A_78 = arith.constant 0 : i32
      %dma_start3A_79 = tpu.memref_slice %arg11[%add3A_13, %dma_start3A_78] : memref<10112x128xf32, #tpu.memory_space<vmem_shared>> -> memref<72x128xf32, #tpu.memory_space<vmem_shared>>
      %dma_start3A_80 = arith.constant 0 : i32
      %dma_start3A_81 = tpu.memref_slice %arg11[%add3A_13, %dma_start3A_80] : memref<10112x128xf32, #tpu.memory_space<vmem_shared>> -> memref<72x128xf32, #tpu.memory_space<vmem_shared>>
      %dma_start3A_82 = arith.constant 0 : i32
      %dma_start3A_83 = arith.constant 0 : i32
      %dma_start3A_84 = tpu.memref_slice %arg9[%dma_start3A_82, %dma_start3A_83] : memref<80x128xf32, #tpu.memory_space<vmem>> -> memref<72x128xf32, #tpu.memory_space<vmem>>
      tpu.enqueue_dma source(%dma_start3A_84 : memref<72x128xf32, #tpu.memory_space<vmem>>) target(%dma_start3A_81 : memref<72x128xf32, #tpu.memory_space<vmem_shared>>) target_semaphore(%run_scoped3A_74 : memref<!tpu.dma_semaphore, #tpu.memory_space<semaphore_mem>>)
      %dma_wait3A_85 = arith.constant 0 : i32
      %dma_wait3A_86 = arith.constant 0 : i32
      %dma_wait3A_87 = tpu.memref_slice %arg9[%dma_wait3A_85, %dma_wait3A_86] : memref<80x128xf32, #tpu.memory_space<vmem>> -> memref<72x128xf32, #tpu.memory_space<vmem>>
      %dma_wait3A_88 = arith.constant 0 : i32
      %dma_wait3A_89 = tpu.memref_slice %arg11[%add3A_13, %dma_wait3A_88] : memref<10112x128xf32, #tpu.memory_space<vmem_shared>> -> memref<72x128xf32, #tpu.memory_space<vmem_shared>>
      %dma_wait3A_90 = arith.constant 0 : i32
      %dma_wait3A_91 = tpu.memref_slice %arg11[%add3A_13, %dma_wait3A_90] : memref<10112x128xf32, #tpu.memory_space<vmem_shared>> -> memref<72x128xf32, #tpu.memory_space<vmem_shared>>
      %dma_wait3A_92 = arith.constant 0 : i32
      %dma_wait3A_93 = arith.constant 0 : i32
      %dma_wait3A_94 = tpu.memref_slice %arg9[%dma_wait3A_92, %dma_wait3A_93] : memref<80x128xf32, #tpu.memory_space<vmem>> -> memref<72x128xf32, #tpu.memory_space<vmem>>
      tpu.wait_dma2 semaphore(%run_scoped3A_74 : memref<!tpu.dma_semaphore, #tpu.memory_space<semaphore_mem>>) src(%dma_wait3A_94 : memref<72x128xf32, #tpu.memory_space<vmem>>) dst(%dma_wait3A_91 : memref<72x128xf32, #tpu.memory_space<vmem_shared>>)
      tpu.yield
    }) : () -> ()
    %barrier3A = arith.constant 0 : index
    tpu.barrier barrier_id(%barrier3A)
    %dma_start3A = arith.constant 0 : i32
    %dma_start3A_14 = tpu.memref_slice %arg7[%dma_start3A] : memref<10000xi32, #tpu.memory_space<vmem>> -> memref<80xi32, #tpu.memory_space<vmem>>
    %dma_start3A_15 = arith.constant 0 : i32
    %dma_start3A_16 = arith.constant 0 : i32
    %dma_start3A_17 = tpu.memref_slice %arg2[%dma_start3A_15, %dma_start3A_16] : memref<10000x128xf32, #tpu.memory_space<hbm>> -> memref<10000x128xf32, #tpu.memory_space<hbm>>
    tpu.enqueue_indirect_dma source(%dma_start3A_17 : memref<10000x128xf32, #tpu.memory_space<hbm>>) target(%arg9 : memref<80x128xf32, #tpu.memory_space<vmem>>) offsets(%dma_start3A_14 : memref<80xi32, #tpu.memory_space<vmem>>) semaphore(%arg12 : memref<!tpu.dma_semaphore, #tpu.memory_space<semaphore_mem>>)
    %dma_start3A_18 = arith.constant 80 : i32
    %dma_start3A_19 = tpu.memref_slice %arg7[%dma_start3A_18] : memref<10000xi32, #tpu.memory_space<vmem>> -> memref<80xi32, #tpu.memory_space<vmem>>
    %dma_start3A_20 = arith.constant 0 : i32
    %dma_start3A_21 = arith.constant 0 : i32
    %dma_start3A_22 = tpu.memref_slice %arg2[%dma_start3A_20, %dma_start3A_21] : memref<10000x128xf32, #tpu.memory_space<hbm>> -> memref<10000x128xf32, #tpu.memory_space<hbm>>
    tpu.enqueue_indirect_dma source(%dma_start3A_22 : memref<10000x128xf32, #tpu.memory_space<hbm>>) target(%arg10 : memref<80x128xf32, #tpu.memory_space<vmem>>) offsets(%dma_start3A_19 : memref<80xi32, #tpu.memory_space<vmem>>) semaphore(%arg13 : memref<!tpu.dma_semaphore, #tpu.memory_space<semaphore_mem>>)
    %scan3A_23 = arith.constant 0 : i32
    %scan3A_24 = arith.constant 61 : i32
    %scan3A_25 = arith.addi %scan3A_23, %scan3A_24 : i32
    %scan3A_26 = arith.constant 1 : i32
    scf.for %scan3A_74 = %scan3A_23 to %scan3A_25 step %scan3A_26  : i32 {
      %mul3A_75 = arith.constant 2 : i32
      %mul3A_76 = arith.muli %scan3A_74, %mul3A_75 : i32
      %add3A_77 = arith.constant 0 : i32
      %add3A_78 = arith.addi %add3A_77, %mul3A_76 : i32
      %dma_wait3A_79 = arith.constant 0 : i32
      %dma_wait3A_80 = tpu.memref_slice %arg7[%dma_wait3A_79] : memref<10000xi32, #tpu.memory_space<vmem>> -> memref<80xi32, #tpu.memory_space<vmem>>
      %dma_wait3A_81 = arith.constant 0 : i32
      %dma_wait3A_82 = arith.constant 0 : i32
      %dma_wait3A_83 = tpu.memref_slice %arg2[%dma_wait3A_81, %dma_wait3A_82] : memref<10000x128xf32, #tpu.memory_space<hbm>> -> memref<10000x128xf32, #tpu.memory_space<hbm>>
      tpu.wait_indirect_dma semaphore(%arg12 : memref<!tpu.dma_semaphore, #tpu.memory_space<semaphore_mem>>) src(%dma_wait3A_83 : memref<10000x128xf32, #tpu.memory_space<hbm>>) dst(%arg9 : memref<80x128xf32, #tpu.memory_space<vmem>>)
      "tpu.region"() ({
        %run_scoped3A_107 = tpu.sem_alloc : memref<!tpu.dma_semaphore, #tpu.memory_space<semaphore_mem>>
        %dma_start3A_108 = arith.constant 0 : i32
        %dma_start3A_109 = tpu.memref_slice %arg8[%add3A_78, %dma_start3A_108] : memref<125x80xi32, #tpu.memory_space<vmem>> -> memref<1x80xi32, #tpu.memory_space<vmem>>
        %dma_start3A_110 = tpu.memref_squeeze %dma_start3A_109 : memref<1x80xi32, #tpu.memory_space<vmem>> -> memref<80xi32, #tpu.memory_space<vmem>>
        %dma_start3A_111 = arith.constant 0 : i32
        %dma_start3A_112 = arith.constant 0 : i32
        %dma_start3A_113 = tpu.memref_slice %arg11[%dma_start3A_111, %dma_start3A_112] : memref<10112x128xf32, #tpu.memory_space<vmem_shared>> -> memref<10112x128xf32, #tpu.memory_space<vmem_shared>>
        tpu.enqueue_indirect_dma source(%arg9 : memref<80x128xf32, #tpu.memory_space<vmem>>) target(%dma_start3A_113 : memref<10112x128xf32, #tpu.memory_space<vmem_shared>>) offsets(%dma_start3A_110 : memref<80xi32, #tpu.memory_space<vmem>>) semaphore(%run_scoped3A_107 : memref<!tpu.dma_semaphore, #tpu.memory_space<semaphore_mem>>) {add = true}
        %dma_wait3A_114 = arith.constant 0 : i32
        %dma_wait3A_115 = tpu.memref_slice %arg8[%add3A_78, %dma_wait3A_114] : memref<125x80xi32, #tpu.memory_space<vmem>> -> memref<1x80xi32, #tpu.memory_space<vmem>>
        %dma_wait3A_116 = tpu.memref_squeeze %dma_wait3A_115 : memref<1x80xi32, #tpu.memory_space<vmem>> -> memref<80xi32, #tpu.memory_space<vmem>>
        %dma_wait3A_117 = arith.constant 0 : i32
        %dma_wait3A_118 = arith.constant 0 : i32
        %dma_wait3A_119 = tpu.memref_slice %arg11[%dma_wait3A_117, %dma_wait3A_118] : memref<10112x128xf32, #tpu.memory_space<vmem_shared>> -> memref<10112x128xf32, #tpu.memory_space<vmem_shared>>
        tpu.wait_indirect_dma semaphore(%run_scoped3A_107 : memref<!tpu.dma_semaphore, #tpu.memory_space<semaphore_mem>>) src(%arg9 : memref<80x128xf32, #tpu.memory_space<vmem>>) dst(%dma_wait3A_119 : memref<10112x128xf32, #tpu.memory_space<vmem_shared>>)
        tpu.yield
      }) : () -> ()
      %add3A_84 = arith.constant 2 : i32
      %add3A_85 = arith.addi %add3A_78, %add3A_84 : i32
      %mul3A_86 = arith.constant 80 : i32
      %mul3A_87 = arith.muli %add3A_85, %mul3A_86 : i32
      %dma_start3A_88 = tpu.memref_slice %arg7[%mul3A_87] : memref<10000xi32, #tpu.memory_space<vmem>> -> memref<80xi32, #tpu.memory_space<vmem>>
      %dma_start3A_89 = arith.constant 0 : i32
      %dma_start3A_90 = arith.constant 0 : i32
      %dma_start3A_91 = tpu.memref_slice %arg2[%dma_start3A_89, %dma_start3A_90] : memref<10000x128xf32, #tpu.memory_space<hbm>> -> memref<10000x128xf32, #tpu.memory_space<hbm>>
      tpu.enqueue_indirect_dma source(%dma_start3A_91 : memref<10000x128xf32, #tpu.memory_space<hbm>>) target(%arg9 : memref<80x128xf32, #tpu.memory_space<vmem>>) offsets(%dma_start3A_88 : memref<80xi32, #tpu.memory_space<vmem>>) semaphore(%arg12 : memref<!tpu.dma_semaphore, #tpu.memory_space<semaphore_mem>>)
      %dma_wait3A_92 = arith.constant 0 : i32
      %dma_wait3A_93 = tpu.memref_slice %arg7[%dma_wait3A_92] : memref<10000xi32, #tpu.memory_space<vmem>> -> memref<80xi32, #tpu.memory_space<vmem>>
      %dma_wait3A_94 = arith.constant 0 : i32
      %dma_wait3A_95 = arith.constant 0 : i32
      %dma_wait3A_96 = tpu.memref_slice %arg2[%dma_wait3A_94, %dma_wait3A_95] : memref<10000x128xf32, #tpu.memory_space<hbm>> -> memref<10000x128xf32, #tpu.memory_space<hbm>>
      tpu.wait_indirect_dma semaphore(%arg13 : memref<!tpu.dma_semaphore, #tpu.memory_space<semaphore_mem>>) src(%dma_wait3A_96 : memref<10000x128xf32, #tpu.memory_space<hbm>>) dst(%arg10 : memref<80x128xf32, #tpu.memory_space<vmem>>)
      %add3A_97 = arith.constant 1 : i32
      %add3A_98 = arith.addi %add3A_78, %add3A_97 : i32
      "tpu.region"() ({
        %run_scoped3A_107 = tpu.sem_alloc : memref<!tpu.dma_semaphore, #tpu.memory_space<semaphore_mem>>
        %dma_start3A_108 = arith.constant 0 : i32
        %dma_start3A_109 = tpu.memref_slice %arg8[%add3A_98, %dma_start3A_108] : memref<125x80xi32, #tpu.memory_space<vmem>> -> memref<1x80xi32, #tpu.memory_space<vmem>>
        %dma_start3A_110 = tpu.memref_squeeze %dma_start3A_109 : memref<1x80xi32, #tpu.memory_space<vmem>> -> memref<80xi32, #tpu.memory_space<vmem>>
        %dma_start3A_111 = arith.constant 0 : i32
        %dma_start3A_112 = arith.constant 0 : i32
        %dma_start3A_113 = tpu.memref_slice %arg11[%dma_start3A_111, %dma_start3A_112] : memref<10112x128xf32, #tpu.memory_space<vmem_shared>> -> memref<10112x128xf32, #tpu.memory_space<vmem_shared>>
        tpu.enqueue_indirect_dma source(%arg10 : memref<80x128xf32, #tpu.memory_space<vmem>>) target(%dma_start3A_113 : memref<10112x128xf32, #tpu.memory_space<vmem_shared>>) offsets(%dma_start3A_110 : memref<80xi32, #tpu.memory_space<vmem>>) semaphore(%run_scoped3A_107 : memref<!tpu.dma_semaphore, #tpu.memory_space<semaphore_mem>>) {add = true}
        %dma_wait3A_114 = arith.constant 0 : i32
        %dma_wait3A_115 = tpu.memref_slice %arg8[%add3A_98, %dma_wait3A_114] : memref<125x80xi32, #tpu.memory_space<vmem>> -> memref<1x80xi32, #tpu.memory_space<vmem>>
        %dma_wait3A_116 = tpu.memref_squeeze %dma_wait3A_115 : memref<1x80xi32, #tpu.memory_space<vmem>> -> memref<80xi32, #tpu.memory_space<vmem>>
        %dma_wait3A_117 = arith.constant 0 : i32
        %dma_wait3A_118 = arith.constant 0 : i32
        %dma_wait3A_119 = tpu.memref_slice %arg11[%dma_wait3A_117, %dma_wait3A_118] : memref<10112x128xf32, #tpu.memory_space<vmem_shared>> -> memref<10112x128xf32, #tpu.memory_space<vmem_shared>>
        tpu.wait_indirect_dma semaphore(%run_scoped3A_107 : memref<!tpu.dma_semaphore, #tpu.memory_space<semaphore_mem>>) src(%arg10 : memref<80x128xf32, #tpu.memory_space<vmem>>) dst(%dma_wait3A_119 : memref<10112x128xf32, #tpu.memory_space<vmem_shared>>)
        tpu.yield
      }) : () -> ()
      %add3A_99 = arith.constant 3 : i32
      %add3A_100 = arith.addi %add3A_78, %add3A_99 : i32
      %mul3A_101 = arith.constant 80 : i32
      %mul3A_102 = arith.muli %add3A_100, %mul3A_101 : i32
      %dma_start3A_103 = tpu.memref_slice %arg7[%mul3A_102] : memref<10000xi32, #tpu.memory_space<vmem>> -> memref<80xi32, #tpu.memory_space<vmem>>
      %dma_start3A_104 = arith.constant 0 : i32
      %dma_start3A_105 = arith.constant 0 : i32
      %dma_start3A_106 = tpu.memref_slice %arg2[%dma_start3A_104, %dma_start3A_105] : memref<10000x128xf32, #tpu.memory_space<hbm>> -> memref<10000x128xf32, #tpu.memory_space<hbm>>
      tpu.enqueue_indirect_dma source(%dma_start3A_106 : memref<10000x128xf32, #tpu.memory_space<hbm>>) target(%arg10 : memref<80x128xf32, #tpu.memory_space<vmem>>) offsets(%dma_start3A_103 : memref<80xi32, #tpu.memory_space<vmem>>) semaphore(%arg13 : memref<!tpu.dma_semaphore, #tpu.memory_space<semaphore_mem>>)
    }
    %scan3A_27 = arith.constant 61 : i32
    %dma_wait3A = arith.constant 0 : i32
    %dma_wait3A_28 = tpu.memref_slice %arg7[%dma_wait3A] : memref<10000xi32, #tpu.memory_space<vmem>> -> memref<80xi32, #tpu.memory_space<vmem>>
    %dma_wait3A_29 = arith.constant 0 : i32
    %dma_wait3A_30 = arith.constant 0 : i32
    %dma_wait3A_31 = tpu.memref_slice %arg2[%dma_wait3A_29, %dma_wait3A_30] : memref<10000x128xf32, #tpu.memory_space<hbm>> -> memref<10000x128xf32, #tpu.memory_space<hbm>>
    tpu.wait_indirect_dma semaphore(%arg12 : memref<!tpu.dma_semaphore, #tpu.memory_space<semaphore_mem>>) src(%dma_wait3A_31 : memref<10000x128xf32, #tpu.memory_space<hbm>>) dst(%arg9 : memref<80x128xf32, #tpu.memory_space<vmem>>)
    %run_scoped3A = arith.constant 122 : i32
    "tpu.region"() ({
      %run_scoped3A_74 = tpu.sem_alloc : memref<!tpu.dma_semaphore, #tpu.memory_space<semaphore_mem>>
      %dma_start3A_75 = arith.constant 0 : i32
      %dma_start3A_76 = tpu.memref_slice %arg8[%run_scoped3A, %dma_start3A_75] : memref<125x80xi32, #tpu.memory_space<vmem>> -> memref<1x80xi32, #tpu.memory_space<vmem>>
      %dma_start3A_77 = tpu.memref_squeeze %dma_start3A_76 : memref<1x80xi32, #tpu.memory_space<vmem>> -> memref<80xi32, #tpu.memory_space<vmem>>
      %dma_start3A_78 = arith.constant 0 : i32
      %dma_start3A_79 = arith.constant 0 : i32
      %dma_start3A_80 = tpu.memref_slice %arg11[%dma_start3A_78, %dma_start3A_79] : memref<10112x128xf32, #tpu.memory_space<vmem_shared>> -> memref<10112x128xf32, #tpu.memory_space<vmem_shared>>
      tpu.enqueue_indirect_dma source(%arg9 : memref<80x128xf32, #tpu.memory_space<vmem>>) target(%dma_start3A_80 : memref<10112x128xf32, #tpu.memory_space<vmem_shared>>) offsets(%dma_start3A_77 : memref<80xi32, #tpu.memory_space<vmem>>) semaphore(%run_scoped3A_74 : memref<!tpu.dma_semaphore, #tpu.memory_space<semaphore_mem>>) {add = true}
      %dma_wait3A_81 = arith.constant 0 : i32
      %dma_wait3A_82 = tpu.memref_slice %arg8[%run_scoped3A, %dma_wait3A_81] : memref<125x80xi32, #tpu.memory_space<vmem>> -> memref<1x80xi32, #tpu.memory_space<vmem>>
      %dma_wait3A_83 = tpu.memref_squeeze %dma_wait3A_82 : memref<1x80xi32, #tpu.memory_space<vmem>> -> memref<80xi32, #tpu.memory_space<vmem>>
      %dma_wait3A_84 = arith.constant 0 : i32
      %dma_wait3A_85 = arith.constant 0 : i32
      %dma_wait3A_86 = tpu.memref_slice %arg11[%dma_wait3A_84, %dma_wait3A_85] : memref<10112x128xf32, #tpu.memory_space<vmem_shared>> -> memref<10112x128xf32, #tpu.memory_space<vmem_shared>>
      tpu.wait_indirect_dma semaphore(%run_scoped3A_74 : memref<!tpu.dma_semaphore, #tpu.memory_space<semaphore_mem>>) src(%arg9 : memref<80x128xf32, #tpu.memory_space<vmem>>) dst(%dma_wait3A_86 : memref<10112x128xf32, #tpu.memory_space<vmem_shared>>)
      tpu.yield
    }) : () -> ()
    %dma_start3A_32 = arith.constant 9920 : i32
    %dma_start3A_33 = tpu.memref_slice %arg7[%dma_start3A_32] : memref<10000xi32, #tpu.memory_space<vmem>> -> memref<80xi32, #tpu.memory_space<vmem>>
    %dma_start3A_34 = arith.constant 0 : i32
    %dma_start3A_35 = arith.constant 0 : i32
    %dma_start3A_36 = tpu.memref_slice %arg2[%dma_start3A_34, %dma_start3A_35] : memref<10000x128xf32, #tpu.memory_space<hbm>> -> memref<10000x128xf32, #tpu.memory_space<hbm>>
    tpu.enqueue_indirect_dma source(%dma_start3A_36 : memref<10000x128xf32, #tpu.memory_space<hbm>>) target(%arg9 : memref<80x128xf32, #tpu.memory_space<vmem>>) offsets(%dma_start3A_33 : memref<80xi32, #tpu.memory_space<vmem>>) semaphore(%arg12 : memref<!tpu.dma_semaphore, #tpu.memory_space<semaphore_mem>>)
    %dma_wait3A_37 = arith.constant 0 : i32
    %dma_wait3A_38 = tpu.memref_slice %arg7[%dma_wait3A_37] : memref<10000xi32, #tpu.memory_space<vmem>> -> memref<80xi32, #tpu.memory_space<vmem>>
    %dma_wait3A_39 = arith.constant 0 : i32
    %dma_wait3A_40 = arith.constant 0 : i32
    %dma_wait3A_41 = tpu.memref_slice %arg2[%dma_wait3A_39, %dma_wait3A_40] : memref<10000x128xf32, #tpu.memory_space<hbm>> -> memref<10000x128xf32, #tpu.memory_space<hbm>>
    tpu.wait_indirect_dma semaphore(%arg13 : memref<!tpu.dma_semaphore, #tpu.memory_space<semaphore_mem>>) src(%dma_wait3A_41 : memref<10000x128xf32, #tpu.memory_space<hbm>>) dst(%arg10 : memref<80x128xf32, #tpu.memory_space<vmem>>)
    %run_scoped3A_42 = arith.constant 123 : i32
    "tpu.region"() ({
      %run_scoped3A_74 = tpu.sem_alloc : memref<!tpu.dma_semaphore, #tpu.memory_space<semaphore_mem>>
      %dma_start3A_75 = arith.constant 0 : i32
      %dma_start3A_76 = tpu.memref_slice %arg8[%run_scoped3A_42, %dma_start3A_75] : memref<125x80xi32, #tpu.memory_space<vmem>> -> memref<1x80xi32, #tpu.memory_space<vmem>>
      %dma_start3A_77 = tpu.memref_squeeze %dma_start3A_76 : memref<1x80xi32, #tpu.memory_space<vmem>> -> memref<80xi32, #tpu.memory_space<vmem>>
      %dma_start3A_78 = arith.constant 0 : i32
      %dma_start3A_79 = arith.constant 0 : i32
      %dma_start3A_80 = tpu.memref_slice %arg11[%dma_start3A_78, %dma_start3A_79] : memref<10112x128xf32, #tpu.memory_space<vmem_shared>> -> memref<10112x128xf32, #tpu.memory_space<vmem_shared>>
      tpu.enqueue_indirect_dma source(%arg10 : memref<80x128xf32, #tpu.memory_space<vmem>>) target(%dma_start3A_80 : memref<10112x128xf32, #tpu.memory_space<vmem_shared>>) offsets(%dma_start3A_77 : memref<80xi32, #tpu.memory_space<vmem>>) semaphore(%run_scoped3A_74 : memref<!tpu.dma_semaphore, #tpu.memory_space<semaphore_mem>>) {add = true}
      %dma_wait3A_81 = arith.constant 0 : i32
      %dma_wait3A_82 = tpu.memref_slice %arg8[%run_scoped3A_42, %dma_wait3A_81] : memref<125x80xi32, #tpu.memory_space<vmem>> -> memref<1x80xi32, #tpu.memory_space<vmem>>
      %dma_wait3A_83 = tpu.memref_squeeze %dma_wait3A_82 : memref<1x80xi32, #tpu.memory_space<vmem>> -> memref<80xi32, #tpu.memory_space<vmem>>
      %dma_wait3A_84 = arith.constant 0 : i32
      %dma_wait3A_85 = arith.constant 0 : i32
      %dma_wait3A_86 = tpu.memref_slice %arg11[%dma_wait3A_84, %dma_wait3A_85] : memref<10112x128xf32, #tpu.memory_space<vmem_shared>> -> memref<10112x128xf32, #tpu.memory_space<vmem_shared>>
      tpu.wait_indirect_dma semaphore(%run_scoped3A_74 : memref<!tpu.dma_semaphore, #tpu.memory_space<semaphore_mem>>) src(%arg10 : memref<80x128xf32, #tpu.memory_space<vmem>>) dst(%dma_wait3A_86 : memref<10112x128xf32, #tpu.memory_space<vmem_shared>>)
      tpu.yield
    }) : () -> ()
    %dma_wait3A_43 = arith.constant 0 : i32
    %dma_wait3A_44 = tpu.memref_slice %arg7[%dma_wait3A_43] : memref<10000xi32, #tpu.memory_space<vmem>> -> memref<80xi32, #tpu.memory_space<vmem>>
    %dma_wait3A_45 = arith.constant 0 : i32
    %dma_wait3A_46 = arith.constant 0 : i32
    %dma_wait3A_47 = tpu.memref_slice %arg2[%dma_wait3A_45, %dma_wait3A_46] : memref<10000x128xf32, #tpu.memory_space<hbm>> -> memref<10000x128xf32, #tpu.memory_space<hbm>>
    tpu.wait_indirect_dma semaphore(%arg12 : memref<!tpu.dma_semaphore, #tpu.memory_space<semaphore_mem>>) src(%dma_wait3A_47 : memref<10000x128xf32, #tpu.memory_space<hbm>>) dst(%arg9 : memref<80x128xf32, #tpu.memory_space<vmem>>)
    %run_scoped3A_48 = arith.constant 124 : i32
    "tpu.region"() ({
      %run_scoped3A_74 = tpu.sem_alloc : memref<!tpu.dma_semaphore, #tpu.memory_space<semaphore_mem>>
      %dma_start3A_75 = arith.constant 0 : i32
      %dma_start3A_76 = tpu.memref_slice %arg8[%run_scoped3A_48, %dma_start3A_75] : memref<125x80xi32, #tpu.memory_space<vmem>> -> memref<1x80xi32, #tpu.memory_space<vmem>>
      %dma_start3A_77 = tpu.memref_squeeze %dma_start3A_76 : memref<1x80xi32, #tpu.memory_space<vmem>> -> memref<80xi32, #tpu.memory_space<vmem>>
      %dma_start3A_78 = arith.constant 0 : i32
      %dma_start3A_79 = arith.constant 0 : i32
      %dma_start3A_80 = tpu.memref_slice %arg11[%dma_start3A_78, %dma_start3A_79] : memref<10112x128xf32, #tpu.memory_space<vmem_shared>> -> memref<10112x128xf32, #tpu.memory_space<vmem_shared>>
      tpu.enqueue_indirect_dma source(%arg9 : memref<80x128xf32, #tpu.memory_space<vmem>>) target(%dma_start3A_80 : memref<10112x128xf32, #tpu.memory_space<vmem_shared>>) offsets(%dma_start3A_77 : memref<80xi32, #tpu.memory_space<vmem>>) semaphore(%run_scoped3A_74 : memref<!tpu.dma_semaphore, #tpu.memory_space<semaphore_mem>>) {add = true}
      %dma_wait3A_81 = arith.constant 0 : i32
      %dma_wait3A_82 = tpu.memref_slice %arg8[%run_scoped3A_48, %dma_wait3A_81] : memref<125x80xi32, #tpu.memory_space<vmem>> -> memref<1x80xi32, #tpu.memory_space<vmem>>
      %dma_wait3A_83 = tpu.memref_squeeze %dma_wait3A_82 : memref<1x80xi32, #tpu.memory_space<vmem>> -> memref<80xi32, #tpu.memory_space<vmem>>
      %dma_wait3A_84 = arith.constant 0 : i32
      %dma_wait3A_85 = arith.constant 0 : i32
      %dma_wait3A_86 = tpu.memref_slice %arg11[%dma_wait3A_84, %dma_wait3A_85] : memref<10112x128xf32, #tpu.memory_space<vmem_shared>> -> memref<10112x128xf32, #tpu.memory_space<vmem_shared>>
      tpu.wait_indirect_dma semaphore(%run_scoped3A_74 : memref<!tpu.dma_semaphore, #tpu.memory_space<semaphore_mem>>) src(%arg9 : memref<80x128xf32, #tpu.memory_space<vmem>>) dst(%dma_wait3A_86 : memref<10112x128xf32, #tpu.memory_space<vmem_shared>>)
      tpu.yield
    }) : () -> ()
    %barrier3A_49 = arith.constant 0 : index
    tpu.barrier barrier_id(%barrier3A_49)
    "tpu.region"() ({
      %run_scoped3A_74 = tpu.sem_alloc : memref<!tpu.dma_semaphore, #tpu.memory_space<semaphore_mem>>
      %dma_start3A_75 = arith.constant 0 : i32
      %dma_start3A_76 = tpu.memref_slice %arg5[%arg0, %mul3A_6, %dma_start3A_75] : memref<2x10112x128xf32, #tpu.memory_space<hbm>> -> memref<1x632x128xf32, #tpu.memory_space<hbm>>
      %dma_start3A_77 = tpu.memref_squeeze %dma_start3A_76 : memref<1x632x128xf32, #tpu.memory_space<hbm>> -> memref<632x128xf32, #tpu.memory_space<hbm>>
      %dma_start3A_78 = arith.constant 0 : i32
      %dma_start3A_79 = tpu.memref_slice %arg11[%mul3A_6, %dma_start3A_78] : memref<10112x128xf32, #tpu.memory_space<vmem_shared>> -> memref<632x128xf32, #tpu.memory_space<vmem_shared>>
      tpu.enqueue_dma source(%dma_start3A_79 : memref<632x128xf32, #tpu.memory_space<vmem_shared>>) target(%dma_start3A_77 : memref<632x128xf32, #tpu.memory_space<hbm>>) target_semaphore(%run_scoped3A_74 : memref<!tpu.dma_semaphore, #tpu.memory_space<semaphore_mem>>)
      %dma_wait3A_80 = arith.constant 0 : i32
      %dma_wait3A_81 = tpu.memref_slice %arg5[%arg0, %mul3A_6, %dma_wait3A_80] : memref<2x10112x128xf32, #tpu.memory_space<hbm>> -> memref<1x632x128xf32, #tpu.memory_space<hbm>>
      %dma_wait3A_82 = tpu.memref_squeeze %dma_wait3A_81 : memref<1x632x128xf32, #tpu.memory_space<hbm>> -> memref<632x128xf32, #tpu.memory_space<hbm>>
      %dma_wait3A_83 = arith.constant 0 : i32
      %dma_wait3A_84 = tpu.memref_slice %arg11[%mul3A_6, %dma_wait3A_83] : memref<10112x128xf32, #tpu.memory_space<vmem_shared>> -> memref<632x128xf32, #tpu.memory_space<vmem_shared>>
      tpu.wait_dma2 semaphore(%run_scoped3A_74 : memref<!tpu.dma_semaphore, #tpu.memory_space<semaphore_mem>>) src(%dma_wait3A_84 : memref<632x128xf32, #tpu.memory_space<vmem_shared>>) dst(%dma_wait3A_82 : memref<632x128xf32, #tpu.memory_space<hbm>>)
      tpu.yield
    }) : () -> ()
    %scan3A_50 = arith.constant 0 : i32
    %scan3A_51 = arith.constant 80 : i32
    %scan3A_52 = arith.addi %scan3A_50, %scan3A_51 : i32
    %scan3A_53 = arith.constant 1 : i32
    scf.for %scan3A_74 = %scan3A_50 to %scan3A_52 step %scan3A_53  : i32 {
      %mul3A_75 = arith.constant 1 : i32
      %mul3A_76 = arith.muli %scan3A_74, %mul3A_75 : i32
      %add3A_77 = arith.constant 0 : i32
      %add3A_78 = arith.addi %add3A_77, %mul3A_76 : i32
      %scan3A_79 = arith.constant 0 : i32
      %scan3A_80 = arith.constant 8 : i32
      %scan3A_81 = arith.addi %scan3A_79, %scan3A_80 : i32
      %scan3A_82 = arith.constant 1 : i32
      scf.for %scan3A_84 = %scan3A_79 to %scan3A_81 step %scan3A_82  : i32 {
        %mul3A_85 = arith.constant 16 : i32
        %mul3A_86 = arith.muli %scan3A_84, %mul3A_85 : i32
        %add3A_87 = arith.constant 0 : i32
        %add3A_88 = arith.addi %add3A_87, %mul3A_86 : i32
        %broadcast_in_dim3A = arith.constant 0.000000e+00 : f32
        %broadcast_in_dim3A_89 = vector.broadcast %broadcast_in_dim3A : f32 to vector<1x16xf32>
        %swap3A = arith.index_cast %add3A_78 : i32 to index
        %swap3A_90 = arith.index_cast %add3A_88 : i32 to index
        %swap3A_91 = tpu.vector_load %arg9[%swap3A, %swap3A_90] {strides = array<i32>} : memref<80x128xf32, #tpu.memory_space<vmem>>, vector<1x16xf32>,
        %swap3A_92 = vector.shape_cast %swap3A_91 : vector<1x16xf32> to vector<1x16xf32>
        %swap3A_93 = vector.shape_cast %broadcast_in_dim3A_89 : vector<1x16xf32> to vector<1x16xf32>
        tpu.vector_store %arg9[%swap3A, %swap3A_90], %swap3A_93 {strides = array<i32>} : memref<80x128xf32, #tpu.memory_space<vmem>>, vector<1x16xf32>,
      }
      %scan3A_83 = arith.constant 8 : i32
    }
    %scan3A_54 = arith.constant 80 : i32
    %scan3A_55 = arith.constant 0 : i32
    %scan3A_56 = arith.constant 80 : i32
    %scan3A_57 = arith.addi %scan3A_55, %scan3A_56 : i32
    %scan3A_58 = arith.constant 1 : i32
    scf.for %scan3A_74 = %scan3A_55 to %scan3A_57 step %scan3A_58  : i32 {
      %mul3A_75 = arith.constant 1 : i32
      %mul3A_76 = arith.muli %scan3A_74, %mul3A_75 : i32
      %add3A_77 = arith.constant 0 : i32
      %add3A_78 = arith.addi %add3A_77, %mul3A_76 : i32
      %scan3A_79 = arith.constant 0 : i32
      %scan3A_80 = arith.constant 8 : i32
      %scan3A_81 = arith.addi %scan3A_79, %scan3A_80 : i32
      %scan3A_82 = arith.constant 1 : i32
      scf.for %scan3A_84 = %scan3A_79 to %scan3A_81 step %scan3A_82  : i32 {
        %mul3A_85 = arith.constant 16 : i32
        %mul3A_86 = arith.muli %scan3A_84, %mul3A_85 : i32
        %add3A_87 = arith.constant 0 : i32
        %add3A_88 = arith.addi %add3A_87, %mul3A_86 : i32
        %broadcast_in_dim3A = arith.constant 1.000000e+00 : f32
        %broadcast_in_dim3A_89 = vector.broadcast %broadcast_in_dim3A : f32 to vector<1x16xf32>
        %swap3A = arith.index_cast %add3A_78 : i32 to index
        %swap3A_90 = arith.index_cast %add3A_88 : i32 to index
        %swap3A_91 = tpu.vector_load %arg10[%swap3A, %swap3A_90] {strides = array<i32>} : memref<80x128xf32, #tpu.memory_space<vmem>>, vector<1x16xf32>,
        %swap3A_92 = vector.shape_cast %swap3A_91 : vector<1x16xf32> to vector<1x16xf32>
        %swap3A_93 = vector.shape_cast %broadcast_in_dim3A_89 : vector<1x16xf32> to vector<1x16xf32>
        tpu.vector_store %arg10[%swap3A, %swap3A_90], %swap3A_93 {strides = array<i32>} : memref<80x128xf32, #tpu.memory_space<vmem>>, vector<1x16xf32>,
      }
      %scan3A_83 = arith.constant 8 : i32
    }
    %scan3A_59 = arith.constant 80 : i32
    %scan3A_60 = arith.constant 0 : i32
    %scan3A_61 = arith.constant 7 : i32
    %scan3A_62 = arith.addi %scan3A_60, %scan3A_61 : i32
    %scan3A_63 = arith.constant 1 : i32
    scf.for %scan3A_74 = %scan3A_60 to %scan3A_62 step %scan3A_63  : i32 {
      %mul3A_75 = arith.constant 1 : i32
      %mul3A_76 = arith.muli %scan3A_74, %mul3A_75 : i32
      %add3A_77 = arith.constant 0 : i32
      %add3A_78 = arith.addi %add3A_77, %mul3A_76 : i32
      %mul3A_79 = arith.constant 80 : i32
      %mul3A_80 = arith.muli %add3A_78, %mul3A_79 : i32
      %add3A_81 = arith.addi %mul3A_6, %mul3A_80 : i32
      "tpu.region"() ({
        %run_scoped3A_82 = tpu.sem_alloc : memref<!tpu.dma_semaphore, #tpu.memory_space<semaphore_mem>>
        %dma_start3A_83 = arith.constant 0 : i32
        %dma_start3A_84 = tpu.memref_slice %arg11[%add3A_81, %dma_start3A_83] : memref<10112x128xf32, #tpu.memory_space<vmem_shared>> -> memref<80x128xf32, #tpu.memory_space<vmem_shared>>
        %dma_start3A_85 = arith.constant 0 : i32
        %dma_start3A_86 = tpu.memref_slice %arg11[%add3A_81, %dma_start3A_85] : memref<10112x128xf32, #tpu.memory_space<vmem_shared>> -> memref<80x128xf32, #tpu.memory_space<vmem_shared>>
        tpu.enqueue_dma source(%arg9 : memref<80x128xf32, #tpu.memory_space<vmem>>) target(%dma_start3A_86 : memref<80x128xf32, #tpu.memory_space<vmem_shared>>) target_semaphore(%run_scoped3A_82 : memref<!tpu.dma_semaphore, #tpu.memory_space<semaphore_mem>>)
        %dma_wait3A_87 = arith.constant 0 : i32
        %dma_wait3A_88 = tpu.memref_slice %arg11[%add3A_81, %dma_wait3A_87] : memref<10112x128xf32, #tpu.memory_space<vmem_shared>> -> memref<80x128xf32, #tpu.memory_space<vmem_shared>>
        %dma_wait3A_89 = arith.constant 0 : i32
        %dma_wait3A_90 = tpu.memref_slice %arg11[%add3A_81, %dma_wait3A_89] : memref<10112x128xf32, #tpu.memory_space<vmem_shared>> -> memref<80x128xf32, #tpu.memory_space<vmem_shared>>
        tpu.wait_dma2 semaphore(%run_scoped3A_82 : memref<!tpu.dma_semaphore, #tpu.memory_space<semaphore_mem>>) src(%arg9 : memref<80x128xf32, #tpu.memory_space<vmem>>) dst(%dma_wait3A_90 : memref<80x128xf32, #tpu.memory_space<vmem_shared>>)
        tpu.yield
      }) : () -> ()
    }
    %scan3A_64 = arith.constant 7 : i32
    %add3A_65 = arith.constant 560 : i32
    %add3A_66 = arith.addi %mul3A_6, %add3A_65 : i32
    "tpu.region"() ({
      %run_scoped3A_74 = tpu.sem_alloc : memref<!tpu.dma_semaphore, #tpu.memory_space<semaphore_mem>>
      %dma_start3A_75 = arith.constant 0 : i32
      %dma_start3A_76 = arith.constant 0 : i32
      %dma_start3A_77 = tpu.memref_slice %arg9[%dma_start3A_75, %dma_start3A_76] : memref<80x128xf32, #tpu.memory_space<vmem>> -> memref<72x128xf32, #tpu.memory_space<vmem>>
      %dma_start3A_78 = arith.constant 0 : i32
      %dma_start3A_79 = tpu.memref_slice %arg11[%add3A_66, %dma_start3A_78] : memref<10112x128xf32, #tpu.memory_space<vmem_shared>> -> memref<72x128xf32, #tpu.memory_space<vmem_shared>>
      %dma_start3A_80 = arith.constant 0 : i32
      %dma_start3A_81 = tpu.memref_slice %arg11[%add3A_66, %dma_start3A_80] : memref<10112x128xf32, #tpu.memory_space<vmem_shared>> -> memref<72x128xf32, #tpu.memory_space<vmem_shared>>
      %dma_start3A_82 = arith.constant 0 : i32
      %dma_start3A_83 = arith.constant 0 : i32
      %dma_start3A_84 = tpu.memref_slice %arg9[%dma_start3A_82, %dma_start3A_83] : memref<80x128xf32, #tpu.memory_space<vmem>> -> memref<72x128xf32, #tpu.memory_space<vmem>>
      tpu.enqueue_dma source(%dma_start3A_84 : memref<72x128xf32, #tpu.memory_space<vmem>>) target(%dma_start3A_81 : memref<72x128xf32, #tpu.memory_space<vmem_shared>>) target_semaphore(%run_scoped3A_74 : memref<!tpu.dma_semaphore, #tpu.memory_space<semaphore_mem>>)
      %dma_wait3A_85 = arith.constant 0 : i32
      %dma_wait3A_86 = arith.constant 0 : i32
      %dma_wait3A_87 = tpu.memref_slice %arg9[%dma_wait3A_85, %dma_wait3A_86] : memref<80x128xf32, #tpu.memory_space<vmem>> -> memref<72x128xf32, #tpu.memory_space<vmem>>
      %dma_wait3A_88 = arith.constant 0 : i32
      %dma_wait3A_89 = tpu.memref_slice %arg11[%add3A_66, %dma_wait3A_88] : memref<10112x128xf32, #tpu.memory_space<vmem_shared>> -> memref<72x128xf32, #tpu.memory_space<vmem_shared>>
      %dma_wait3A_90 = arith.constant 0 : i32
      %dma_wait3A_91 = tpu.memref_slice %arg11[%add3A_66, %dma_wait3A_90] : memref<10112x128xf32, #tpu.memory_space<vmem_shared>> -> memref<72x128xf32, #tpu.memory_space<vmem_shared>>
      %dma_wait3A_92 = arith.constant 0 : i32
      %dma_wait3A_93 = arith.constant 0 : i32
      %dma_wait3A_94 = tpu.memref_slice %arg9[%dma_wait3A_92, %dma_wait3A_93] : memref<80x128xf32, #tpu.memory_space<vmem>> -> memref<72x128xf32, #tpu.memory_space<vmem>>
      tpu.wait_dma2 semaphore(%run_scoped3A_74 : memref<!tpu.dma_semaphore, #tpu.memory_space<semaphore_mem>>) src(%dma_wait3A_94 : memref<72x128xf32, #tpu.memory_space<vmem>>) dst(%dma_wait3A_91 : memref<72x128xf32, #tpu.memory_space<vmem_shared>>)
      tpu.yield
    }) : () -> ()
    %barrier3A_67 = arith.constant 0 : index
    tpu.barrier barrier_id(%barrier3A_67)
    %scan3A_68 = arith.constant 0 : i32
    %scan3A_69 = arith.constant 125 : i32
    %scan3A_70 = arith.addi %scan3A_68, %scan3A_69 : i32
    %scan3A_71 = arith.constant 1 : i32
    scf.for %scan3A_74 = %scan3A_68 to %scan3A_70 step %scan3A_71  : i32 {
      %mul3A_75 = arith.constant 1 : i32
      %mul3A_76 = arith.muli %scan3A_74, %mul3A_75 : i32
      %add3A_77 = arith.constant 0 : i32
      %add3A_78 = arith.addi %add3A_77, %mul3A_76 : i32
      "tpu.region"() ({
        %run_scoped3A_79 = tpu.sem_alloc : memref<!tpu.dma_semaphore, #tpu.memory_space<semaphore_mem>>
        %dma_start3A_80 = arith.constant 0 : i32
        %dma_start3A_81 = tpu.memref_slice %arg8[%add3A_78, %dma_start3A_80] : memref<125x80xi32, #tpu.memory_space<vmem>> -> memref<1x80xi32, #tpu.memory_space<vmem>>
        %dma_start3A_82 = tpu.memref_squeeze %dma_start3A_81 : memref<1x80xi32, #tpu.memory_space<vmem>> -> memref<80xi32, #tpu.memory_space<vmem>>
        %dma_start3A_83 = arith.constant 0 : i32
        %dma_start3A_84 = arith.constant 0 : i32
        %dma_start3A_85 = tpu.memref_slice %arg11[%dma_start3A_83, %dma_start3A_84] : memref<10112x128xf32, #tpu.memory_space<vmem_shared>> -> memref<10112x128xf32, #tpu.memory_space<vmem_shared>>
        tpu.enqueue_indirect_dma source(%arg10 : memref<80x128xf32, #tpu.memory_space<vmem>>) target(%dma_start3A_85 : memref<10112x128xf32, #tpu.memory_space<vmem_shared>>) offsets(%dma_start3A_82 : memref<80xi32, #tpu.memory_space<vmem>>) semaphore(%run_scoped3A_79 : memref<!tpu.dma_semaphore, #tpu.memory_space<semaphore_mem>>) {add = true}
        %dma_wait3A_86 = arith.constant 0 : i32
        %dma_wait3A_87 = tpu.memref_slice %arg8[%add3A_78, %dma_wait3A_86] : memref<125x80xi32, #tpu.memory_space<vmem>> -> memref<1x80xi32, #tpu.memory_space<vmem>>
        %dma_wait3A_88 = tpu.memref_squeeze %dma_wait3A_87 : memref<1x80xi32, #tpu.memory_space<vmem>> -> memref<80xi32, #tpu.memory_space<vmem>>
        %dma_wait3A_89 = arith.constant 0 : i32
        %dma_wait3A_90 = arith.constant 0 : i32
        %dma_wait3A_91 = tpu.memref_slice %arg11[%dma_wait3A_89, %dma_wait3A_90] : memref<10112x128xf32, #tpu.memory_space<vmem_shared>> -> memref<10112x128xf32, #tpu.memory_space<vmem_shared>>
        tpu.wait_indirect_dma semaphore(%run_scoped3A_79 : memref<!tpu.dma_semaphore, #tpu.memory_space<semaphore_mem>>) src(%arg10 : memref<80x128xf32, #tpu.memory_space<vmem>>) dst(%dma_wait3A_91 : memref<10112x128xf32, #tpu.memory_space<vmem_shared>>)
        tpu.yield
      }) : () -> ()
    }
    %scan3A_72 = arith.constant 125 : i32
    %barrier3A_73 = arith.constant 0 : index
    tpu.barrier barrier_id(%barrier3A_73)
    "tpu.region"() ({
      %run_scoped3A_74 = tpu.sem_alloc : memref<!tpu.dma_semaphore, #tpu.memory_space<semaphore_mem>>
      %dma_start3A_75 = arith.constant 0 : i32
      %dma_start3A_76 = tpu.memref_slice %arg6[%arg0, %mul3A_6, %dma_start3A_75] : memref<2x10112x128xf32, #tpu.memory_space<hbm>> -> memref<1x632x128xf32, #tpu.memory_space<hbm>>
      %dma_start3A_77 = tpu.memref_squeeze %dma_start3A_76 : memref<1x632x128xf32, #tpu.memory_space<hbm>> -> memref<632x128xf32, #tpu.memory_space<hbm>>
      %dma_start3A_78 = arith.constant 0 : i32
      %dma_start3A_79 = tpu.memref_slice %arg11[%mul3A_6, %dma_start3A_78] : memref<10112x128xf32, #tpu.memory_space<vmem_shared>> -> memref<632x128xf32, #tpu.memory_space<vmem_shared>>
      tpu.enqueue_dma source(%dma_start3A_79 : memref<632x128xf32, #tpu.memory_space<vmem_shared>>) target(%dma_start3A_77 : memref<632x128xf32, #tpu.memory_space<hbm>>) target_semaphore(%run_scoped3A_74 : memref<!tpu.dma_semaphore, #tpu.memory_space<semaphore_mem>>)
      %dma_wait3A_80 = arith.constant 0 : i32
      %dma_wait3A_81 = tpu.memref_slice %arg6[%arg0, %mul3A_6, %dma_wait3A_80] : memref<2x10112x128xf32, #tpu.memory_space<hbm>> -> memref<1x632x128xf32, #tpu.memory_space<hbm>>
      %dma_wait3A_82 = tpu.memref_squeeze %dma_wait3A_81 : memref<1x632x128xf32, #tpu.memory_space<hbm>> -> memref<632x128xf32, #tpu.memory_space<hbm>>
      %dma_wait3A_83 = arith.constant 0 : i32
      %dma_wait3A_84 = tpu.memref_slice %arg11[%mul3A_6, %dma_wait3A_83] : memref<10112x128xf32, #tpu.memory_space<vmem_shared>> -> memref<632x128xf32, #tpu.memory_space<vmem_shared>>
      tpu.wait_dma2 semaphore(%run_scoped3A_74 : memref<!tpu.dma_semaphore, #tpu.memory_space<semaphore_mem>>) src(%dma_wait3A_84 : memref<632x128xf32, #tpu.memory_space<vmem_shared>>) dst(%dma_wait3A_82 : memref<632x128xf32, #tpu.memory_space<hbm>>)
      tpu.yield
    }) : () -> ()
    return
  }
}

module attributes {stable_mosaic.version = 14 : i64} {
  func.func @_merge_body(%arg0: i32, %arg1: memref<2x1000x128xf32, #tpu.memory_space<vmem>>, %arg2: memref<2x1000x128xf32, #tpu.memory_space<vmem>>, %arg3: memref<1000x128xf32, #tpu.memory_space<vmem>>) attributes {dimension_semantics = [#tpu.dimension_semantics<arbitrary>], iteration_bounds = array<i64: 10>, scalar_prefetch = 0 : i64, scratch_operands = 0 : i64, tpu.core_type = #tpu.core_type<tc>, window_params = [{transform_indices = @transform_0, window_bounds = array<i64: 2, 1000, 128>}, {transform_indices = @transform_1, window_bounds = array<i64: 2, 1000, 128>}, {transform_indices = @transform_2, window_bounds = array<i64: 1000, 128>}]} {
    %get3A = arith.constant 0 : index
    %get3A_0 = arith.constant 0 : index
    %get3A_1 = arith.constant 0 : index
    %get3A_2 = vector.load %arg1[%get3A, %get3A_0, %get3A_1] : memref<2x1000x128xf32, #tpu.memory_space<vmem>>, vector<1x1000x128xf32>
    %get3A_3 = vector.shape_cast %get3A_2 : vector<1x1000x128xf32> to vector<1000x128xf32>
    %get3A_4 = arith.constant 1 : index
    %get3A_5 = arith.constant 0 : index
    %get3A_6 = arith.constant 0 : index
    %get3A_7 = vector.load %arg1[%get3A_4, %get3A_5, %get3A_6] : memref<2x1000x128xf32, #tpu.memory_space<vmem>>, vector<1x1000x128xf32>
    %get3A_8 = vector.shape_cast %get3A_7 : vector<1x1000x128xf32> to vector<1000x128xf32>
    %add3A = arith.addf %get3A_3, %get3A_8 : vector<1000x128xf32>
    %get3A_9 = arith.constant 0 : index
    %get3A_10 = arith.constant 0 : index
    %get3A_11 = arith.constant 0 : index
    %get3A_12 = vector.load %arg2[%get3A_9, %get3A_10, %get3A_11] : memref<2x1000x128xf32, #tpu.memory_space<vmem>>, vector<1x1000x1xf32>
    %get3A_13 = vector.shape_cast %get3A_12 : vector<1x1000x1xf32> to vector<1000x1xf32>
    %get3A_14 = arith.constant 1 : index
    %get3A_15 = arith.constant 0 : index
    %get3A_16 = arith.constant 0 : index
    %get3A_17 = vector.load %arg2[%get3A_14, %get3A_15, %get3A_16] : memref<2x1000x128xf32, #tpu.memory_space<vmem>>, vector<1x1000x1xf32>
    %get3A_18 = vector.shape_cast %get3A_17 : vector<1x1000x1xf32> to vector<1000x1xf32>
    %add3A_19 = arith.addf %get3A_13, %get3A_18 : vector<1000x1xf32>
    %max3A = arith.constant 1.000000e+00 : f32
    %max3A_20 = vector.broadcast %max3A : f32 to vector<1000x1xf32>
    %max3A_21 = arith.maximumf %add3A_19, %max3A_20 : vector<1000x1xf32>
    %div3A = vector.broadcast %max3A_21 : vector<1000x1xf32> to vector<1000x128xf32>
    %div3A_22 = arith.divf %add3A, %div3A : vector<1000x128xf32>
    %swap3A = arith.constant 0 : index
    %swap3A_23 = arith.constant 0 : index
    %swap3A_24 = vector.load %arg3[%swap3A, %swap3A_23] : memref<1000x128xf32, #tpu.memory_space<vmem>>, vector<1000x128xf32>
    tpu.vector_store %arg3[%swap3A, %swap3A_23], %div3A_22 {strides = array<i32>} : memref<1000x128xf32, #tpu.memory_space<vmem>>, vector<1000x128xf32>,
    return
  }
  func.func @transform_0(%arg0: i32) -> (i32, i32, i32) {
    %c0_i32 = arith.constant 0 : i32
    %c0_i32_0 = arith.constant 0 : i32
    %c0_i32_1 = arith.constant 0 : i32
    return %c0_i32, %arg0, %c0_i32_0 : i32, i32, i32
  }
  func.func @transform_1(%arg0: i32) -> (i32, i32, i32) {
    %c0_i32 = arith.constant 0 : i32
    %c0_i32_0 = arith.constant 0 : i32
    %c0_i32_1 = arith.constant 0 : i32
    return %c0_i32, %arg0, %c0_i32_0 : i32, i32, i32
  }
  func.func @transform_2(%arg0: i32) -> (i32, i32) {
    %c0_i32 = arith.constant 0 : i32
    %c0_i32_0 = arith.constant 0 : i32
    return %arg0, %c0_i32 : i32, i32
  }
}

</mosaic_0001>

<sc_bundles>
// kernel: _impl.4.cloned.1.call-start
scs
__scs_entry_jumppad:
0x0: {  	(pc) =	sbr.rel $0x88, $3  }
0x1: {  	(tag) =	ssettag $0x0;
	lr =	simm.s32 $0x1  }
0x2: {  	[smem:$0x3F9E] =	sst lr;
	_ =	strace $0xD0000000  }
0x3: {  	_ = 	snop  }
0x4: {  	_ = 	snop  }
0x5: {  	_ = 	snop  }
0x6: {  	_ = 	snop  }
0x7: {  	_ = 	snop  }
__scs_overlays_trampoline_lowered:
0x8: {  	[smem:$0x3FAD] =	sst s0  }
0x9: {  	[smem:$0x3FAE] =	sst s1  }
0xa: {  	[smem:$0x3FAF] =	sst s2  }
0xb: {  	[smem:$0x3FB0] =	sst s3  }
0xc: {  	[smem:$0x3FB1] =	sst s4  }
0xd: {  	[smem:$0x3FB2] =	sst s5  }
0xe: {  	[smem:$0x3FB3] =	sst s6  }
0xf: {  	[smem:$0x3FB4] =	sst s7  }
0x10: {  	[smem:$0x3FB5] =	sst s8  }
0x11: {  	[smem:$0x3FB6] =	sst s9;
	s0 =	simm.s32 @!p0 $0x0  }
0x12: {  	s1 =	sld [smem:$0x3F9C];
	s0 =	simm.s32 @p0 $0x1  }
0x13: {  	[smem:$0x3FB7] =	sst s0;
	s0 =	simm.s32 @!p1 $0x0  }
0x14: {  	s2 =	sld [smem:$0x3F9B];
	s0 =	simm.s32 @p1 $0x1  }
0x15: {  	[smem:$0x3FB8] =	sst s0;
	s0 =	simm.s32 @!p2 $0x0  }
0x16: {  	s3 =	sld [smem:$0x3FDB];
	s0 =	simm.s32 @p2 $0x1  }
0x17: {  	s4 =	simm.s32 $0x1BF5;
	[smem:$0x3FBA] =	sst s0  }
0x18: {  	s0 =	sld [smem:$0x3F9D];
	_ =	swait.ge [sflag:s4], $0x0  }
0x19: {  	s7 =	sld [smem:$0x3F9E]  }
0x1a: {  	s8 =	sadd.s32 $0xFFFFE003, lr  }
0x1b: {  	s9 =	sadd.s32 $0xFFFFFEF7, lr;
	s5 =	simm.s32 $0xFFFFFFFF;
	p2 =	slt.u32 s8, $0xFFFFF086  }
0x1c: {  	p1 =	slt.u32 s9, $0xF7A;
	s5 =	simm.s32 @!p2 $0x0  }
0x1d: {  	s5 =	simm.s32 @p1 $0x1;
	p0 =	seq.s32 s7, s2  }
0x1e: {  	s7 =	smul.u32 @!p0 $0xF7A, s2;
	p2 =	seq.s32 @!p0 s5, $0x0  }
0x1f: {  	s9 =	smul.u32 $0xF7A, s1;
	s8 =	simm.s32 @!p0 $0x1BF5;
	p2 =	por !p2, p0  }
0x20: {  	[sflag:s8] =	ssyncset.s32 @!p0 $0xFFFFF086;
	s6 =	sadd.s32 @!p0 s3, s7;
	s7 =	simm.s32 @!p0 $0x108  }
0x21: {  	s3 =	sadd.s32 s3, s9;
	s6 =	sadd.s32 @!p0 $0x88, s6;
	s7 =	simm.s32 @p2 $0x1082  }
0x22: {  	[simem:s7], [sflag:s8] =	dma.local @!p0 [hbm:s6], $0xF7A  }
0x23: {  	s9 =	sor.u32 $0xD0000000, s2;
	s6 =	simm.s32 $0x108;
	_ =	swait.ge @!p0 [sflag:s8], $0x0  }
0x24: {  	s3 =	sadd.s32 $0x88, s3;
	s6 =	simm.s32 @!p1 $0x1082;
	[sflag:s4] =	ssyncset.s32 $0xFFFFF086  }
0x25: {  	[simem:s6], [sflag:s4] =	dma.local [hbm:s3], $0xF7A  }
0x26: {  	[smem:$0x3F9E] =	sst s1;
	(tag) =	ssettag s2;
	_ =	strace s9  }
0x27: {  	s1 =	sld [smem:$0x3FAE]  }
0x28: {  	s2 =	sld [smem:$0x3FAF]  }
0x29: {  	s4 =	sld [smem:$0x3FB1]  }
0x2a: {  	p0 =	seq.s32 s5, $0x0;
	s5 =	sld [smem:$0x3FB2]  }
0x2b: {  	s6 =	sld [smem:$0x3FB3]  }
0x2c: {  	s7 =	sld [smem:$0x3FB4]  }
0x2d: {  	s3 =	simm.s32 $0x108;
	s8 =	sld [smem:$0x3FB5]  }
0x2e: {  	s3 =	simm.s32 @!p0 $0x1082;
	s9 =	sld [smem:$0x3FB6]  }
0x2f: {  	lr =	sadd.s32 s0, s3;
	s0 =	sld [smem:$0x3FAD]  }
0x30: {  	s3 =	sld [smem:$0x3FB0]  }
0x31: {  	[smem:$0x3FB9] =	sst s10  }
0x32: {  	s10 =	sld [smem:$0x3FB7];
	_ =	sdelay $0x3  }
0x33: {  	p0 =	seq.s32 s10, $0x1;
	s10 =	sld [smem:$0x3FB9];
	_ =	sdelay $0x3  }
0x34: {  	[smem:$0x3FB9] =	sst s10  }
0x35: {  	s10 =	sld [smem:$0x3FB8];
	_ =	sdelay $0x3  }
0x36: {  	p1 =	seq.s32 s10, $0x1;
	s10 =	sld [smem:$0x3FB9];
	_ =	sdelay $0x3  }
0x37: {  	[smem:$0x3FB9] =	sst s10  }
0x38: {  	s10 =	sld [smem:$0x3FBA]  }
0x39: {  	_ = 	snop;
	(pc) =	sbr.ind lr, $3  }
0x3a: {  	_ = 	snop  }
0x3b: {  	_ = 	snop  }
0x3c: {  	p2 =	seq.s32 s10, $0x1;
	s10 =	sld [smem:$0x3FB9]  }
0x3d: {  	_ =	shalt  }
0x3e: {  	_ =	shalt  }
0x3f: {  	_ =	shalt  }
0x40: {  	_ =	shalt  }
0x41: {  	_ =	shalt  }
0x42: {  	_ =	shalt  }
0x43: {  	_ =	shalt  }
0x44: {  	_ =	shalt  }
0x45: {  	_ =	shalt  }
0x46: {  	_ =	shalt  }
0x47: {  	_ =	shalt  }
0x48: {  	_ =	shalt  }
0x49: {  	_ =	shalt  }
0x4a: {  	_ =	shalt  }
0x4b: {  	_ =	shalt  }
0x4c: {  	_ =	shalt  }
0x4d: {  	_ =	shalt  }
0x4e: {  	_ =	shalt  }
0x4f: {  	_ =	shalt  }
0x50: {  	_ =	shalt  }
0x51: {  	_ =	shalt  }
0x52: {  	_ =	shalt  }
0x53: {  	_ =	shalt  }
0x54: {  	_ =	shalt  }
0x55: {  	_ =	shalt  }
0x56: {  	_ =	shalt  }
0x57: {  	_ =	shalt  }
0x58: {  	_ =	shalt  }
0x59: {  	_ =	shalt  }
0x5a: {  	_ =	shalt  }
0x5b: {  	_ =	shalt  }
0x5c: {  	_ =	shalt  }
0x5d: {  	_ =	shalt  }
0x5e: {  	_ =	shalt  }
0x5f: {  	_ =	shalt  }
0x60: {  	_ =	shalt  }
0x61: {  	_ =	shalt  }
0x62: {  	_ =	shalt  }
0x63: {  	_ =	shalt  }
0x64: {  	_ =	shalt  }
0x65: {  	_ =	shalt  }
0x66: {  	_ =	shalt  }
0x67: {  	_ =	shalt  }
0x68: {  	_ =	shalt  }
0x69: {  	_ =	shalt  }
0x6a: {  	_ =	shalt  }
0x6b: {  	_ =	shalt  }
0x6c: {  	_ =	shalt  }
0x6d: {  	_ =	shalt  }
0x6e: {  	_ =	shalt  }
0x6f: {  	_ =	shalt  }
0x70: {  	_ =	shalt  }
0x71: {  	_ =	shalt  }
0x72: {  	_ =	shalt  }
0x73: {  	_ =	shalt  }
0x74: {  	_ =	shalt  }
0x75: {  	_ =	shalt  }
0x76: {  	_ =	shalt  }
0x77: {  	_ =	shalt  }
0x78: {  	_ =	shalt  }
0x79: {  	_ =	shalt  }
0x7a: {  	_ =	shalt  }
0x7b: {  	_ =	shalt  }
0x7c: {  	_ =	shalt  }
0x7d: {  	_ =	shalt  }
0x7e: {  	_ =	shalt  }
0x7f: {  	_ =	shalt  }
0x80: {  	_ =	shalt  }
0x81: {  	_ =	shalt  }
0x82: {  	_ =	shalt  }
0x83: {  	_ =	shalt  }
0x84: {  	_ =	shalt  }
0x85: {  	_ =	shalt  }
0x86: {  	_ =	shalt  }
0x87: {  	_ =	shalt  }
.Lfunc_end0:
.L_simem_size_0:
called_computation_lowered:
.L_overlay_start_0:
0x88: {  	s2 =	sld [smem:$0x3FD9]  }
0x89: {  	s3 =	sld [smem:$0x3FFE];
	_ =	sdelay $0x1  }
0x8a: {  	s1 =	srdreg.scid  }
0x8b: {  	s0 =	sand.u32 $0x1, s1  }
0x8c: {  	s17 =	sshll.u32 s0, $0xA;
	s2 =	sadd.s32 s3, s2  }
0x8d: {  	s2 =	sadd.s32 s2, s17  }
0x8e: {  	[smem:$0x3FC5] =	sst s2  }
0x8f: {  	_ = 	snop  }
0x90: {  	s2 =	sld [smem:$0x3FC9]  }
0x91: {  	s18 =	sld [smem:$0x3FD0];
	(tm) =	ssettm $0x1  }
0x92: {  	s4 =	sld [smem:$0x3FFB];
	_ =	sdelay $0x3  }
0x93: {  	_ =	strace s4  }
0x94: {  	s4 =	sld [smem:$0x3FFC];
	_ =	sdelay $0x3  }
0x95: {  	_ =	strace s4  }
0x96: {  	s4 =	sld [smem:$0x3FFD];
	_ =	sdelay $0x3  }
0x97: {  	_ =	strace s4  }
0x98: {  	_ =	strace $0x8FFFFFFF  }
0x99: {  	s19 =	sld [smem:$0x3FDB];
	_ =	sdelay $0x1  }
0x9a: {  	s5 =	simm.s32 $_scs_section_size  }
0x9b: {  	s6 =	simm.s32 $_size__tile_overlayer_lowered;
	s7 =	simm.s32 $_tile_overlayer_lowered  }
0x9c: {  	s22 =	simm.s32 $0x1BFF;
	s21 =	sshll.u32 s7, $0x1;
	s4 =	sadd.s32 s5, s19  }
0x9d: {  	s8 =	simm.s32 $0x0;
	s20 =	sshll.u32 s6, $0x1;
	s6 =	sadd.s32 s21, s4  }
0x9e: {  	[timem:s8], [sflag:s22] =	dma.local [hbm:s6], s20  }
0x9f: {  	_ =	swait.ge [sflag:s22], s20  }
0xa0: {  	s5 =	ssub.s32 $0x0, s20;
	[sflag:s22] =	ssyncset.done $0x0  }
0xa1: {  	[sflag:s22] =	ssyncadd.s32 s5;
	_ =	sdelay $0x1  }
0xa2: {  	s23 =	simm.s32 $0x1B8B  }
0xa3: {  	_ =	swait.ge [sflag:s23], $0x1  }
0xa4: {  	[sflag:s23] =	ssyncset.done $0x0  }
0xa5: {  	s25 =	simm.s32 $0x1B8E;
	s24 =	sld [smem:$0x3FFE];
	[sflag:s23] =	ssyncadd.s32 $0xFFFFFFFF  }
0xa6: {  	s26 =	simm.s32 $execute0_lowered;
	[smem:$0x3FD2] =	sst s25  }
0xa7: {  	s6 =	sshll.u32 s26, $0x1;
	_ =	strace $0x80000046;
	[dreg:$0x1] =	wrdreg $0xFFFFFFFF  }
0xa8: {  	s28 =	simm.s32 $_size_execute0_lowered;
	s4 =	sadd.s32 s4, s6;
	[dreg:$0x0] =	wrdreg $0x0  }
0xa9: {  	s6 =	sshll.u32 s28, $0x1;
	[dreg:$0x2] =	wrdreg s4  }
0xaa: {  	[dreg:$0x3] =	wrdreg s6  }
0xab: {  	[dreg:$0x4] =	wrdreg $0xC0  }
0xac: {  	_ =	task [dreg:s8], $0x5FFFF  }
0xad: {  	[dreg:$0x1] =	wrdreg $0xFFFFFFFF  }
0xae: {  	[dreg:$0x0] =	wrdreg $0x60  }
0xaf: {  	[dreg:$0x2] =	wrdreg s2  }
0xb0: {  	[dreg:$0x3] =	wrdreg s24  }
0xb1: {  	[dreg:$0x4] =	wrdreg s18  }
0xb2: {  	[dreg:$0x5] =	wrdreg $0xB7800  }
0xb3: {  	[dreg:$0x6] =	wrdreg $0x9  }
0xb4: {  	_ =	task.clear_ibuf [dreg:s8], $0x7FFFF;
	_ =	strace $0x90000046  }
0xb5: {  	s29 =	simm.s32 $0x9;
	_ =	strace $0x80000048  }
0xb6: {  	_ =	swait.ge [sflag:s29], $0x1  }
0xb7: {  	[sflag:s29] =	ssyncadd.s32 $0xFFFFFFFF  }
0xb8: {  	_ =	strace $0x90000048  }
0xb9: {  	_ =	sfence  }
0xba: {  	s30 =	sld [smem:$0x0];
	_ =	sdelay $0x2  }
0xbb: {  	s31 =	sshll.u32 s1, $0xD;
	s1 =	sshrl.u32 s1, $0x2  }
0xbc: {  	s3 =	sand.u32 $0x4000, s31;
	s1 =	sadd.s32 s1, s30  }
0xbd: {  	s0 =	sor.u32 s3, s0;
	s1 =	sshll.u32 s1, $0x11  }
0xbe: {  	s0 =	sor.u32 s1, s0  }
0xbf: {  	s0 =	sadd.s32 $0x8F2B, s0  }
0xc0: {  	[sflag:s0] =	ssyncadd.remote.s32 $0x1  }
0xc1: {  	_ =	sfence.sel $0xFFFF  }
0xc2: {  	[dreg:$0x0] =	wrdreg $0xFFFFFFFF;
	(pc) =	sbr.abs _section_cstart, $3  }
0xc3: {  	[dreg:$0x1] =	wrdreg $0xFFFFFFFF  }
0xc4: {  	_ =	task.clear_ibuf [dreg:s8], $0x2FFFF;
	_ =	strace $0x9FFFFFFF  }
0xc5: {  	(tm) =	ssettm $0x7FFFFFFF  }
tec
execute0_lowered:
.L_overlay_start_1:
0x0: {  	(tag) =	ssettag $0x1  }
0x1: {  	s1 =	rddreg [dreg:$0x0]  }
0x2: {  	s0 =	rddreg [dreg:$0x1]  }
0x3: {  	s2 =	rddreg [dreg:$0x2]  }
0x4: {  	s3 =	srdreg.scid;
	s11 =	stileid.u32  }
0x5: {  	s20 =	simm.s32 $0x3;
	s22 =	simm.s32 $0x6780;
	s29 =	simm.s32 $0x26C0  }
0x6: {  	s30 =	simm.s32 $0x6500;
	s31 =	simm.s32 $0x6580;
	s10 =	smul.u32 $0x13C00, s11  }
0x7: {  	s5 =	sand.u32 $0x1, s3;
	s6 =	sshrl.u32 s11, $0x2;
	s24 =	smul.u32 $0x4F000, s11  }
0x8: {  	s4 =	sshll.u32 s11, $0x1;
	s3 =	rddreg [dreg:$0x3];
	s6 =	smul.u32 $0x13C00, s6  }
0x9: {  	s7 =	sor.u32 s5, s4;
	s9 =	smul.u32 $0x13C000, s5;
	s4 =	simm.s32 $0x0  }
0xa: {  	s5 =	ssub.s32 $0x2, s5;
	s8 =	sshll.u32 s7, $0x7;
	[smem:$0x7FF] =	sst s4  }
0xb: {  	s25 =	sshrl.u32 s5, $0x1;
	s7 =	sshll.u32 s7, $0xB;
	s28 =	sshrl.u32 s24, $0x2  }
0xc: {  	s24 =	simm.s32 $0x8F80;
	s8 =	sand.u32 $0x380, s8;
	_ =	strace $0x80000047  }
0xd: {  	s23 =	sadd.s32 s10, s9;
	s26 =	ssub.s32 s5, s25;
	s6 =	sor.u32 s6, s8  }
0xe: {  	s25 =	simm.s32 $0x1;
	s8 =	sshrl.u32 s23, $0x3;
	s6 =	sshrl.u32 s6, $0x3  }
0xf: {  	s11 =	smax.u32 s26, $0x1;
	s23 =	simm.s32 $0x50;
	s6 =	sadd.s32 s6, s0  }
0x10: {  	s26 =	simm.s32 $0x2;
	s0 =	sadd.s32 s8, s0;
	s5 =	sadd.s32 $0xC00, s6  }
0x11: {  	s6 =	sadd.s32 s2, s7;
	s7 =	sadd.s32 s28, s3;
	s9 =	sadd.s32 $0xAA00, s0  }
0x12: {  	s10 =	sadd.s32 $0x59A00, s0;
	s2 =	simm.s32 $0x0;
	s8 =	sadd.s32 $0x11800, s7  }
0x13: {  	s12 =	sadd.s32 $0x2800, s7;
	s13 =	sadd.s32 $0x5000, s7;
	s14 =	sadd.s32 $0x7800, s7  }
0x14: {  	v0 =	vimm.f32 $0.0e+00;
	v1 =	vimm.f32 $1.000000000e+00;
	s15 =	sadd.s32 $0xA000, s7;
	s16 =	sadd.s32 $0xC800, s7;
	s17 =	sadd.s32 $0xF000, s7  }
.LBB2_1:
0x15: {  	s0 =	simm.s32 $0x80;
	s18 =	simm.s32 $0x400  }
0x16: {  	[tilespmem:s4], [sflag:$0x3] =	stream.strided.gather [hbm4b:s5+s0], $0x2780, s18, s0, $0x38;
	[tilespmem:$0x1F380] =	vst v63  }
0x17: {  	_ =	swait.ge [sflag:s20], $0x2780  }
0x18: {  	[sflag:s20] =	ssyncset.done $0x0  }
0x19: {  	s28 =	simm.s32 $0x2780;
	[sflag:s20] =	ssyncadd.s32 $0xFFFFD880  }
0x1a: {  	[tilespmem:s28], [sflag:$0x3] =	stream.linear.gather [hbm4b:s6+s4], $0x3E80, $0x38;
	[tilespmem:$0x1F380] =	vst v63  }
0x1b: {  	_ =	swait.ge [sflag:s20], $0x3E80  }
0x1c: {  	[sflag:s20] =	ssyncset.done $0x0  }
0x1d: {  	s19 =	simm.s32 $0x3C0;
	s18 =	simm.s32 $0x70;
	[sflag:s20] =	ssyncadd.s32 $0xFFFFC180  }
.LBB2_2:
0x1e: {  	p0 =	sne.s32 s19, $0x9FC0;
	[tilespmem:s18+$0x6780] =	vst v0  }
0x1f: {  	[tilespmem:s18+$0x6710] =	vst v0  }
0x20: {  	[tilespmem:s18+$0x6720] =	vst v0  }
.Ltmp0:
0x21: {  	[tilespmem:s18+$0x6730] =	vst v0;
	(pc) =	sbr.rel @p0 .LBB2_2-.Ltmp0, $4  }
0x22: {  	[tilespmem:s18+$0x6740] =	vst v0  }
0x23: {  	[tilespmem:s18+$0x6750] =	vst v0  }
0x24: {  	[tilespmem:s18+$0x6760] =	vst v0  }
0x25: {  	[tilespmem:s18+$0x6770] =	vst v0;
	s18 =	sshra.s32 s19, $0x2;
	s19 =	sadd.s32 $0x200, s19  }
0x26: {  	[tilespmem:s18+$0x6780] =	vst v0  }
0x27: {  	[tilespmem:s18+$0x6710] =	vst v0  }
0x28: {  	[tilespmem:s18+$0x6720] =	vst v0  }
0x29: {  	[tilespmem:s18+$0x6730] =	vst v0  }
0x2a: {  	[tilespmem:s18+$0x6740] =	vst v0  }
0x2b: {  	[tilespmem:s18+$0x6750] =	vst v0  }
0x2c: {  	[tilespmem:s18+$0x6760] =	vst v0  }
0x2d: {  	[tilespmem:s18+$0x6770] =	vst v0  }
0x2e: {  	[spmem:s7] =	stream.linear.scatter [tilespmem:s22], [sflag:$0x3], $0x2800, $0x38;
	[tilespmem:$0x1F380] =	vst v63  }
0x2f: {  	_ =	swait.ge [sflag:s20], $0x2800  }
0x30: {  	[sflag:s20] =	ssyncset.done $0x0  }
0x31: {  	[sflag:s20] =	ssyncadd.s32 $0xFFFFD800  }
0x32: {  	[spmem:s12] =	stream.linear.scatter [tilespmem:s22], [sflag:$0x3], $0x2800, $0x38;
	[tilespmem:$0x1F380] =	vst v63  }
0x33: {  	_ =	swait.ge [sflag:s20], $0x2800  }
0x34: {  	[sflag:s20] =	ssyncset.done $0x0  }
0x35: {  	[sflag:s20] =	ssyncadd.s32 $0xFFFFD800  }
0x36: {  	[spmem:s13] =	stream.linear.scatter [tilespmem:s22], [sflag:$0x3], $0x2800, $0x38;
	[tilespmem:$0x1F380] =	vst v63  }
0x37: {  	_ =	swait.ge [sflag:s20], $0x2800  }
0x38: {  	[sflag:s20] =	ssyncset.done $0x0  }
0x39: {  	[sflag:s20] =	ssyncadd.s32 $0xFFFFD800  }
0x3a: {  	[spmem:s14] =	stream.linear.scatter [tilespmem:s22], [sflag:$0x3], $0x2800, $0x38;
	[tilespmem:$0x1F380] =	vst v63  }
0x3b: {  	_ =	swait.ge [sflag:s20], $0x2800  }
0x3c: {  	[sflag:s20] =	ssyncset.done $0x0  }
0x3d: {  	[sflag:s20] =	ssyncadd.s32 $0xFFFFD800  }
0x3e: {  	[spmem:s15] =	stream.linear.scatter [tilespmem:s22], [sflag:$0x3], $0x2800, $0x38;
	[tilespmem:$0x1F380] =	vst v63  }
0x3f: {  	_ =	swait.ge [sflag:s20], $0x2800  }
0x40: {  	[sflag:s20] =	ssyncset.done $0x0  }
0x41: {  	[sflag:s20] =	ssyncadd.s32 $0xFFFFD800  }
0x42: {  	[spmem:s16] =	stream.linear.scatter [tilespmem:s22], [sflag:$0x3], $0x2800, $0x38;
	[tilespmem:$0x1F380] =	vst v63  }
0x43: {  	_ =	swait.ge [sflag:s20], $0x2800  }
0x44: {  	[sflag:s20] =	ssyncset.done $0x0  }
0x45: {  	[sflag:s20] =	ssyncadd.s32 $0xFFFFD800  }
0x46: {  	[spmem:s17] =	stream.linear.scatter [tilespmem:s22], [sflag:$0x3], $0x2800, $0x38;
	[tilespmem:$0x1F380] =	vst v63  }
0x47: {  	_ =	swait.ge [sflag:s20], $0x2800  }
0x48: {  	[sflag:s20] =	ssyncset.done $0x0  }
0x49: {  	[sflag:s20] =	ssyncadd.s32 $0xFFFFD800  }
0x4a: {  	[spmem:s8] =	stream.linear.scatter [tilespmem:s22], [sflag:$0x3], $0x2400, $0x38;
	[tilespmem:$0x1F380] =	vst v63  }
0x4b: {  	_ =	swait.ge [sflag:s20], $0x2400  }
0x4c: {  	[sflag:s20] =	ssyncset.done $0x0  }
0x4d: {  	[sflag:s20] =	ssyncadd.s32 $0xFFFFDC00  }
0x4e: {  	s0 =	simm.s32 $0x0;
	[bflag:$0x0] =	sbarrier.arrive $0xFFFF  }
0x4f: {  	[tilespmem:s22], [sflag:$0x1] =	stream.indirect.gather [hbm4b:s1+s23], $0x80, s0, s23, $0xb8;
	[tilespmem:$0x1F380] =	vst v63  }
0x50: {  	_ = 	snop  }
0x51: {  	[tilespmem:s24], [sflag:$0x2] =	stream.indirect.gather [hbm4b:s1+s23], $0x80, s23, s23, $0xb8;
	[tilespmem:$0x1F380] =	vst v63  }
0x52: {  	_ =	swait.ge [sflag:s25], $0x2800  }
0x53: {  	[sflag:s25] =	ssyncset.done $0x0  }
0x54: {  	s19 =	simm.s32 $0x2780;
	[sflag:s25] =	ssyncadd.s32 $0xFFFFD800  }
0x55: {  	[spmem:s3] =	stream.indirect.scatter.add.f32 [tilespmem:s22], [sflag:$0x3], $0x80, s19, s23, $0xb8;
	[tilespmem:$0x1F380] =	vst v63  }
0x56: {  	_ =	swait.ge [sflag:s20], $0x2800  }
0x57: {  	[sflag:s20] =	ssyncset.done $0x0  }
0x58: {  	s21 =	simm.s32 $0xA0;
	[sflag:s20] =	ssyncadd.s32 $0xFFFFD800  }
0x59: {  	[tilespmem:s22], [sflag:$0x1] =	stream.indirect.gather [hbm4b:s1+s23], $0x80, s21, s23, $0xb8;
	[tilespmem:$0x1F380] =	vst v63  }
0x5a: {  	_ =	swait.ge [sflag:s26], $0x2800  }
0x5b: {  	[sflag:s26] =	ssyncset.done $0x0  }
0x5c: {  	s28 =	simm.s32 $0x2800;
	[sflag:s26] =	ssyncadd.s32 $0xFFFFD800  }
0x5d: {  	[spmem:s3] =	stream.indirect.scatter.add.f32 [tilespmem:s24], [sflag:$0x3], $0x80, s28, s23, $0xb8;
	[tilespmem:$0x1F380] =	vst v63  }
0x5e: {  	_ =	swait.ge [sflag:s20], $0x2800  }
0x5f: {  	s18 =	simm.s32 $0xF0;
	[sflag:s20] =	ssyncset.done $0x0  }
0x60: {  	s19 =	simm.s32 $0x400;
	s21 =	simm.s32 $0x190;
	[sflag:s20] =	ssyncadd.s32 $0xFFFFD800  }
.LBB2_4:
0x61: {  	[tilespmem:s24], [sflag:$0x2] =	stream.indirect.gather [hbm4b:s1+s23], $0x80, s18, s23, $0xb8;
	[tilespmem:$0x1F380] =	vst v63  }
0x62: {  	s0 =	smov.u32 s19;
	s18 =	smov.u32 s21  }
0x63: {  	p0 =	sne.s32 s19, $0xF000;
	s19 =	sadd.s32 $0x400, s19;
	_ =	swait.ge [sflag:s25], $0x2800  }
0x64: {  	s0 =	sshra.s32 s0, $0x2;
	[sflag:s25] =	ssyncset.done $0x0  }
0x65: {  	s28 =	sadd.s32 $0x2780, s0;
	[sflag:s25] =	ssyncadd.s32 $0xFFFFD800  }
0x66: {  	[spmem:s3] =	stream.indirect.scatter.add.f32 [tilespmem:s22], [sflag:$0x3], $0x80, s28, s23, $0xb8;
	[tilespmem:$0x1F380] =	vst v63  }
0x67: {  	_ =	swait.ge [sflag:s20], $0x2800  }
0x68: {  	[sflag:s20] =	ssyncset.done $0x0  }
0x69: {  	s28 =	sadd.s32 $0xFFFFFFB0, s21;
	[sflag:s20] =	ssyncadd.s32 $0xFFFFD800  }
0x6a: {  	[tilespmem:s22], [sflag:$0x1] =	stream.indirect.gather [hbm4b:s1+s23], $0x80, s28, s23, $0xb8;
	[tilespmem:$0x1F380] =	vst v63  }
0x6b: {  	_ =	swait.ge [sflag:s26], $0x2800  }
0x6c: {  	[sflag:s26] =	ssyncset.done $0x0  }
.Ltmp1:
0x6d: {  	s0 =	sadd.s32 $0x2800, s0;
	[sflag:s26] =	ssyncadd.s32 $0xFFFFD800;
	(pc) =	sbr.rel @p0 .LBB2_4-.Ltmp1, $4  }
0x6e: {  	[spmem:s3] =	stream.indirect.scatter.add.f32 [tilespmem:s24], [sflag:$0x3], $0x80, s0, s23, $0xb8;
	[tilespmem:$0x1F380] =	vst v63  }
0x6f: {  	_ =	swait.ge [sflag:s20], $0x2800  }
0x70: {  	[sflag:s20] =	ssyncset.done $0x0  }
0x71: {  	s21 =	sadd.s32 $0xA0, s21;
	[sflag:s20] =	ssyncadd.s32 $0xFFFFD800  }
0x72: {  	[tilespmem:s24], [sflag:$0x2] =	stream.indirect.gather [hbm4b:s1+s23], $0x80, s18, s23, $0xb8;
	[tilespmem:$0x1F380] =	vst v63  }
0x73: {  	_ =	swait.ge [sflag:s25], $0x2800  }
0x74: {  	[sflag:s25] =	ssyncset.done $0x0  }
0x75: {  	s0 =	simm.s32 $0x6480;
	[sflag:s25] =	ssyncadd.s32 $0xFFFFD800  }
0x76: {  	[spmem:s3] =	stream.indirect.scatter.add.f32 [tilespmem:s22], [sflag:$0x3], $0x80, s0, s23, $0xb8;
	[tilespmem:$0x1F380] =	vst v63  }
0x77: {  	_ =	swait.ge [sflag:s20], $0x2800  }
0x78: {  	[sflag:s20] =	ssyncset.done $0x0  }
0x79: {  	[sflag:s20] =	ssyncadd.s32 $0xFFFFD800  }
0x7a: {  	[tilespmem:s22], [sflag:$0x1] =	stream.indirect.gather [hbm4b:s1+s23], $0x80, s29, s23, $0xb8;
	[tilespmem:$0x1F380] =	vst v63  }
0x7b: {  	_ =	swait.ge [sflag:s26], $0x2800  }
0x7c: {  	[sflag:s26] =	ssyncset.done $0x0  }
0x7d: {  	[sflag:s26] =	ssyncadd.s32 $0xFFFFD800  }
0x7e: {  	[spmem:s3] =	stream.indirect.scatter.add.f32 [tilespmem:s24], [sflag:$0x3], $0x80, s30, s23, $0xb8;
	[tilespmem:$0x1F380] =	vst v63  }
0x7f: {  	_ =	swait.ge [sflag:s20], $0x2800  }
0x80: {  	[sflag:s20] =	ssyncset.done $0x0  }
0x81: {  	[sflag:s20] =	ssyncadd.s32 $0xFFFFD800  }
0x82: {  	_ =	swait.ge [sflag:s25], $0x2800  }
0x83: {  	[sflag:s25] =	ssyncset.done $0x0  }
0x84: {  	[sflag:s25] =	ssyncadd.s32 $0xFFFFD800  }
0x85: {  	[spmem:s3] =	stream.indirect.scatter.add.f32 [tilespmem:s22], [sflag:$0x3], $0x80, s31, s23, $0xb8;
	[tilespmem:$0x1F380] =	vst v63  }
0x86: {  	_ =	swait.ge [sflag:s20], $0x2800  }
0x87: {  	s28 =	stileid.u32;
	[sflag:s20] =	ssyncset.done $0x0  }
0x88: {  	s0 =	sshll.u32 s28, $0x6;
	[sflag:s20] =	ssyncadd.s32 $0xFFFFD800  }
0x89: {  	s19 =	sshrl.u32 s7, $0x3;
	s18 =	sor.u32 $0x1C03, s0;
	[bflag:$0x0] =	sbarrier.arrive $0xFFFF  }
0x8a: {  	[hbm:s9], [sflag:s18] =	dma.local [spmem:s19], $0x2780  }
0x8b: {  	_ =	swait.ge [sflag:s20], $0x2780  }
0x8c: {  	[sflag:s20] =	ssyncset.done $0x0  }
0x8d: {  	s21 =	simm.s32 $0x70;
	s0 =	simm.s32 $0x3C0;
	[sflag:s20] =	ssyncadd.s32 $0xFFFFD880  }
.LBB2_6:
0x8e: {  	p0 =	sne.s32 s0, $0x9FC0;
	[tilespmem:s21+$0x6780] =	vst v0  }
0x8f: {  	[tilespmem:s21+$0x6710] =	vst v0  }
0x90: {  	[tilespmem:s21+$0x6720] =	vst v0  }
.Ltmp2:
0x91: {  	[tilespmem:s21+$0x6730] =	vst v0;
	(pc) =	sbr.rel @p0 .LBB2_6-.Ltmp2, $4  }
0x92: {  	[tilespmem:s21+$0x6740] =	vst v0  }
0x93: {  	[tilespmem:s21+$0x6750] =	vst v0  }
0x94: {  	[tilespmem:s21+$0x6760] =	vst v0  }
0x95: {  	[tilespmem:s21+$0x6770] =	vst v0;
	s21 =	sshra.s32 s0, $0x2;
	s0 =	sadd.s32 $0x200, s0  }
0x96: {  	[tilespmem:s21+$0x6780] =	vst v0  }
0x97: {  	[tilespmem:s21+$0x6710] =	vst v0  }
0x98: {  	[tilespmem:s21+$0x6720] =	vst v0  }
0x99: {  	[tilespmem:s21+$0x6730] =	vst v0  }
0x9a: {  	[tilespmem:s21+$0x6740] =	vst v0  }
0x9b: {  	[tilespmem:s21+$0x6750] =	vst v0  }
0x9c: {  	[tilespmem:s21+$0x6760] =	vst v0  }
0x9d: {  	[tilespmem:s21+$0x6770] =	vst v0;
	s21 =	simm.s32 $0x70;
	s0 =	simm.s32 $0x3C0  }
.LBB2_8:
0x9e: {  	p0 =	sne.s32 s0, $0x9FC0;
	[tilespmem:s21+$0x8F80] =	vst v1  }
0x9f: {  	[tilespmem:s21+$0x8F10] =	vst v1  }
0xa0: {  	[tilespmem:s21+$0x8F20] =	vst v1  }
.Ltmp3:
0xa1: {  	[tilespmem:s21+$0x8F30] =	vst v1;
	(pc) =	sbr.rel @p0 .LBB2_8-.Ltmp3, $4  }
0xa2: {  	[tilespmem:s21+$0x8F40] =	vst v1  }
0xa3: {  	[tilespmem:s21+$0x8F50] =	vst v1  }
0xa4: {  	[tilespmem:s21+$0x8F60] =	vst v1  }
0xa5: {  	[tilespmem:s21+$0x8F70] =	vst v1;
	s21 =	sshra.s32 s0, $0x2;
	s0 =	sadd.s32 $0x200, s0  }
0xa6: {  	[tilespmem:s21+$0x8F80] =	vst v1  }
0xa7: {  	[tilespmem:s21+$0x8F10] =	vst v1  }
0xa8: {  	[tilespmem:s21+$0x8F20] =	vst v1  }
0xa9: {  	[tilespmem:s21+$0x8F30] =	vst v1  }
0xaa: {  	[tilespmem:s21+$0x8F40] =	vst v1  }
0xab: {  	[tilespmem:s21+$0x8F50] =	vst v1  }
0xac: {  	[tilespmem:s21+$0x8F60] =	vst v1  }
0xad: {  	[tilespmem:s21+$0x8F70] =	vst v1  }
0xae: {  	[spmem:s7] =	stream.linear.scatter [tilespmem:s22], [sflag:$0x3], $0x2800, $0x38;
	[tilespmem:$0x1F380] =	vst v63  }
0xaf: {  	_ =	swait.ge [sflag:s20], $0x2800  }
0xb0: {  	[sflag:s20] =	ssyncset.done $0x0  }
0xb1: {  	[sflag:s20] =	ssyncadd.s32 $0xFFFFD800  }
0xb2: {  	[spmem:s12] =	stream.linear.scatter [tilespmem:s22], [sflag:$0x3], $0x2800, $0x38;
	[tilespmem:$0x1F380] =	vst v63  }
0xb3: {  	_ =	swait.ge [sflag:s20], $0x2800  }
0xb4: {  	[sflag:s20] =	ssyncset.done $0x0  }
0xb5: {  	[sflag:s20] =	ssyncadd.s32 $0xFFFFD800  }
0xb6: {  	[spmem:s13] =	stream.linear.scatter [tilespmem:s22], [sflag:$0x3], $0x2800, $0x38;
	[tilespmem:$0x1F380] =	vst v63  }
0xb7: {  	_ =	swait.ge [sflag:s20], $0x2800  }
0xb8: {  	[sflag:s20] =	ssyncset.done $0x0  }
0xb9: {  	[sflag:s20] =	ssyncadd.s32 $0xFFFFD800  }
0xba: {  	[spmem:s14] =	stream.linear.scatter [tilespmem:s22], [sflag:$0x3], $0x2800, $0x38;
	[tilespmem:$0x1F380] =	vst v63  }
0xbb: {  	_ =	swait.ge [sflag:s20], $0x2800  }
0xbc: {  	[sflag:s20] =	ssyncset.done $0x0  }
0xbd: {  	[sflag:s20] =	ssyncadd.s32 $0xFFFFD800  }
0xbe: {  	[spmem:s15] =	stream.linear.scatter [tilespmem:s22], [sflag:$0x3], $0x2800, $0x38;
	[tilespmem:$0x1F380] =	vst v63  }
0xbf: {  	_ =	swait.ge [sflag:s20], $0x2800  }
0xc0: {  	[sflag:s20] =	ssyncset.done $0x0  }
0xc1: {  	[sflag:s20] =	ssyncadd.s32 $0xFFFFD800  }
0xc2: {  	[spmem:s16] =	stream.linear.scatter [tilespmem:s22], [sflag:$0x3], $0x2800, $0x38;
	[tilespmem:$0x1F380] =	vst v63  }
0xc3: {  	_ =	swait.ge [sflag:s20], $0x2800  }
0xc4: {  	[sflag:s20] =	ssyncset.done $0x0  }
0xc5: {  	[sflag:s20] =	ssyncadd.s32 $0xFFFFD800  }
0xc6: {  	[spmem:s17] =	stream.linear.scatter [tilespmem:s22], [sflag:$0x3], $0x2800, $0x38;
	[tilespmem:$0x1F380] =	vst v63  }
0xc7: {  	_ =	swait.ge [sflag:s20], $0x2800  }
0xc8: {  	[sflag:s20] =	ssyncset.done $0x0  }
0xc9: {  	[sflag:s20] =	ssyncadd.s32 $0xFFFFD800  }
0xca: {  	[spmem:s8] =	stream.linear.scatter [tilespmem:s22], [sflag:$0x3], $0x2400, $0x38;
	[tilespmem:$0x1F380] =	vst v63  }
0xcb: {  	_ =	swait.ge [sflag:s20], $0x2400  }
0xcc: {  	[sflag:s20] =	ssyncset.done $0x0  }
0xcd: {  	[sflag:s20] =	ssyncadd.s32 $0xFFFFDC00  }
0xce: {  	s0 =	simm.s32 $0x2780;
	[bflag:$0x0] =	sbarrier.arrive $0xFFFF  }
0xcf: {  	[spmem:s3] =	stream.indirect.scatter.add.f32 [tilespmem:s24], [sflag:$0x3], $0x80, s0, s23, $0xb8;
	[tilespmem:$0x1F380] =	vst v63  }
0xd0: {  	s0 =	simm.s32 $0x200;
	_ =	swait.ge [sflag:s20], $0x2800  }
.LBB2_10:
0xd1: {  	s21 =	sshra.s32 s0, $0x2;
	[sflag:s20] =	ssyncset.done $0x0;
	p0 =	sne.s32 s0, $0xF800  }
.Ltmp4:
0xd2: {  	s21 =	sadd.s32 $0x2780, s21;
	[sflag:s20] =	ssyncadd.s32 $0xFFFFD800;
	(pc) =	sbr.rel @p0 .LBB2_10-.Ltmp4, $3  }
0xd3: {  	[spmem:s3] =	stream.indirect.scatter.add.f32 [tilespmem:s24], [sflag:$0x3], $0x80, s21, s23, $0xb8;
	[tilespmem:$0x1F380] =	vst v63  }
0xd4: {  	s0 =	sadd.s32 $0x200, s0;
	_ =	sdelay $0x1  }
0xd5: {  	_ =	swait.ge [sflag:s20], $0x2800  }
0xd6: {  	[sflag:s20] =	ssyncset.done $0x0;
	s2 =	sadd.s32 $0x1, s2  }
0xd7: {  	[sflag:s20] =	ssyncadd.s32 $0xFFFFD800;
	p0 =	sne.s32 s2, s11  }
.Ltmp5:
0xd8: {  	[bflag:$0x0] =	sbarrier.arrive $0xFFFF;
	(pc) =	sbr.rel @p0 .LBB2_1-.Ltmp5, $4  }
0xd9: {  	[hbm:s10], [sflag:s18] =	dma.local [spmem:s19], $0x2780  }
0xda: {  	_ =	swait.ge [sflag:s20], $0x2780  }
0xdb: {  	[sflag:s20] =	ssyncset.done $0x0  }
0xdc: {  	[sflag:s20] =	ssyncadd.s32 $0xFFFFD880  }
0xdd: {  	_ =	sfence.sel $0x180000  }
0xde: {  	[bflag:$0x0] =	sbarrier.arrive $0xFFFF  }
0xdf: {  	_ =	strace $0x90000047  }
0xe0: {  	s0 =	stileid.u32;
	[bflag:$0x2] =	sbarrier.arrive $0xFFFF  }
0xe1: {  	p0 =	sne.s32 s0, $0x0;
	s0 =	rddreg [dreg:$0x4]  }
0xe2: {  	s0 =	sadd.s32 @!p0 $0x100000, s0  }
0xe3: {  	[sflag:s0] =	ssyncadd.tile.s32 @!p0 $0x1;
	_ =	shalt  }
.Lfunc_end2:
_tile_overlayer_lowered:
.L_overlay_start_2:
0xe4: {  	(tag) =	ssettag $0x2  }
0xe5: {  	s0 =	rddreg [dreg:$0x0];
	s2 =	stileid.u32  }
0xe6: {  	s1 =	rddreg [dreg:$0x1];
	p0 =	sne.s32 s2, $0x0  }
0xe7: {  	s3 =	rddreg [dreg:$0x2];
	[bflag:$0x3] =	sbarrier.arrive $0xFFFF;
	s2 =	simm.s32 @!p0 $0x1C03  }
0xe8: {  	[timem:s3], [sflag:s2] =	dma.local @!p0 [hbm:s0], s1  }
0xe9: {  	s0 =	simm.s32 @!p0 $0x3  }
0xea: {  	_ =	swait.ge @!p0 [sflag:s0], s1  }
0xeb: {  	s1 =	ssub.s32 @!p0 $0x0, s1;
	[sflag:s0] =	ssyncset.done @!p0 $0x0  }
0xec: {  	[sflag:s0] =	ssyncadd.s32 @!p0 s1  }
0xed: {  	[bflag:$0x3] =	sbarrier.arrive $0xFFFF  }
0xee: {  	_ =	shalt  }

</sc_bundles>
